<compile_context>
chip_gen: v7x
topology: tpu7x:2x2x1
jax: 0.10.2.dev20260603
libtpu: 0.0.44.dev20260713+nightly
codegen_flags: <defaults>
</compile_context>

<pallas_src>
import functools

import jax
import jax.numpy as jnp
from jax import lax
from jax.experimental import pallas as pl
from jax.experimental.pallas import tpu as pltpu
from jax.experimental.pallas import tpu_sc as plsc

L = 16
NC = 2
NS = 16
K = 128
AW = 144


def _prep_body(ent_ref, rel_ref, aw_ref, ab_ref, a2w_ref, a2b_ref, tri_ref,
               ph_ref, pt_ref, pr_ref, sh_ref, st_ref, sr_ref,
               hi_ref, ti_ref, ri_ref):
    d = aw_ref.shape[0]
    np_ = ent_ref.shape[0]
    aw = aw_ref[...]
    ent = ent_ref[...]
    rel = rel_ref[...]
    ph = jnp.dot(ent, aw[:, 0:d].T, preferred_element_type=jnp.float32)
    pt = jnp.dot(ent, aw[:, d:2 * d].T, preferred_element_type=jnp.float32)
    pr = (jnp.dot(rel, aw[:, 2 * d:3 * d].T,
                  preferred_element_type=jnp.float32) + ab_ref[...])
    a2 = a2w_ref[...]
    sh = jnp.dot(a2, ph.T, preferred_element_type=jnp.float32)
    st = jnp.dot(a2, pt.T, preferred_element_type=jnp.float32)
    sr = (jnp.dot(a2, pr.T, preferred_element_type=jnp.float32)
          + a2b_ref[...])
    ph_ref[...] = ph
    pt_ref[...] = pt
    pr_ref[...] = pr
    sh_ref[...] = sh.reshape(np_)
    st_ref[...] = st.reshape(np_)
    sr_ref[...] = sr.reshape(np_)
    tri = tri_ref[...]
    hi_ref[...] = tri[0]
    ti_ref[...] = tri[1]
    ri_ref[...] = tri[2]


def _fin_body(n, r, d, ha_ref, hw_ref, ra_ref, rw_ref, ph_ref, pr_ref,
              he_ref, hr_ref):
    wsum_h = hw_ref[...][:n, 0:1]
    hsum = ha_ref[...][:n, :d] + wsum_h * ph_ref[...][:n, :]
    ebs = jnp.where(wsum_h == 0.0, 1e-12, wsum_h)
    he = hsum / ebs
    he_ref[...] = jnp.where(he > 0.0, he, jnp.exp(he) - 1.0)
    wsum_r = rw_ref[...][:r, 0:1]
    rsum = ra_ref[...][:r, :d] + wsum_r * pr_ref[...][:r, :]
    cnt = rw_ref[...][:r, 1:2]
    hr = rsum / jnp.maximum(cnt, 1.0)
    hr_ref[...] = jnp.where(hr > 0.0, hr, jnp.exp(hr) - 1.0)


def _sc_body(np_, et, d, hidx, tidx, ridx, ph, pt, pr, sh_h, st_h, sr_h,
             ha, hw, ra, rw,
             hbuf0, tbuf0, rbuf0, hbuf1, tbuf1, rbuf1,
             rowbuf0, rowbuf1, wtail, wbuf,
             sgh0, sgt0, sgr0, sgh1, sgt1, sgr1,
             acc, acc2,
             semI0, semI1, semS0, semS1, semG0, semG1):
    cid = lax.axis_index("c")
    sid = lax.axis_index("s")
    zero16 = jnp.zeros((L,), jnp.float32)
    IDX = [(hbuf0, tbuf0, rbuf0, semI0), (hbuf1, tbuf1, rbuf1, semI1)]
    SG = [(sgh0, sgt0, sgr0, semS0), (sgh1, sgt1, sgr1, semS1)]
    ROW = [(rowbuf0, semG0), (rowbuf1, semG1)]

    def zrow(i, c):
        for j in range(d // L):
            rowbuf0[i, pl.ds(j * L, L)] = zero16
        wtail[i, pl.ds(0, L)] = zero16
        return c
    lax.fori_loop(0, K, zrow, 0)

    rpt = np_ // NS
    row0 = sid * rpt
    nfull = rpt // K
    for b in range(nfull):
        pltpu.sync_copy(rowbuf0, acc.at[pl.ds(row0 + b * K, K)])
        pltpu.sync_copy(wtail, acc2.at[pl.ds(row0 + b * K, K)])
    rem = rpt - nfull * K
    if rem:
        pltpu.sync_copy(rowbuf0.at[pl.ds(0, rem)],
                        acc.at[pl.ds(row0 + nfull * K, rem)])
        pltpu.sync_copy(wtail.at[pl.ds(0, rem)],
                        acc2.at[pl.ds(row0 + nfull * K, rem)])
    plsc.subcore_barrier()

    nchunks = et // K
    lane = lax.iota(jnp.int32, L)

    def ebase(ci):
        return sid * et + ci * K

    def issue_idx(ci, p):
        hb, tb, rb, sem = IDX[p]
        pltpu.async_copy(hidx.at[pl.ds(ebase(ci), K)], hb, sem)
        pltpu.async_copy(tidx.at[pl.ds(ebase(ci), K)], tb, sem)
        pltpu.async_copy(ridx.at[pl.ds(ebase(ci), K)], rb, sem)

    def wait_idx(ci, p):
        hb, tb, rb, sem = IDX[p]
        pltpu.make_async_copy(hidx.at[pl.ds(ebase(ci), K)], hb, sem).wait()
        pltpu.make_async_copy(tidx.at[pl.ds(ebase(ci), K)], tb, sem).wait()
        pltpu.make_async_copy(ridx.at[pl.ds(ebase(ci), K)], rb, sem).wait()

    def issue_sg(p):
        hb, tb, rb, _ = IDX[p]
        gh, gt, gr, sem = SG[p]
        pltpu.async_copy(sh_h.at[hb], gh, sem)
        pltpu.async_copy(st_h.at[tb], gt, sem)
        pltpu.async_copy(sr_h.at[rb], gr, sem)

    def wait_sg(p):
        hb, tb, rb, _ = IDX[p]
        gh, gt, gr, sem = SG[p]
        pltpu.make_async_copy(sh_h.at[hb], gh, sem).wait()
        pltpu.make_async_copy(st_h.at[tb], gt, sem).wait()
        pltpu.make_async_copy(sr_h.at[rb], gr, sem).wait()

    def issue_g1(p):
        hb, tb, rb, _ = IDX[p]
        row, sem = ROW[p]

        @pl.when(cid == 0)
        def _():
            pltpu.async_copy(pt.at[tb], row, sem)

        @pl.when(cid == 1)
        def _():
            pltpu.async_copy(ph.at[hb], row, sem)

    def issue_g2(p):
        hb, tb, rb, _ = IDX[p]
        row, sem = ROW[p]

        @pl.when(cid == 0)
        def _():
            pltpu.async_copy(pr.at[rb], row, sem, add=True)

        @pl.when(cid == 1)
        def _():
            pltpu.async_copy(pt.at[tb], row, sem, add=True)

    def wait_g(p):
        tb = IDX[p][1]
        row, sem = ROW[p]
        pltpu.make_async_copy(pt.at[tb], row, sem).wait()

    def body(ci, p):
        q = 1 - p
        row, _ = ROW[p]
        hb, tb, rb, _ = IDX[p]
        gh, gt, gr, _ = SG[p]
        wait_g(p)
        wait_sg(p)

        def wgroup(g, c2):
            x = (gh[pl.ds(g * L, L)] + gt[pl.ds(g * L, L)]
                 + gr[pl.ds(g * L, L)])
            wbuf[pl.ds(g * L, L)] = jnp.exp(jnp.maximum(x, x * 0.01))
            return c2
        lax.fori_loop(0, K // L, wgroup, 0)

        @pl.when(ci + 1 < nchunks)
        def _():
            wait_idx(ci + 1, q)
            issue_sg(q)
            issue_g1(q)

        def edge(e, c2):
            wsp = plsc.load_gather(wbuf, [jnp.full((L,), 0, jnp.int32) + e])
            for j in range(d // L):
                row[e, pl.ds(j * L, L)] = row[e, pl.ds(j * L, L)] * wsp
            wtail[e, pl.ds(0, L)] = jnp.where(
                lane == 0, wsp,
                jnp.where(lane == 1, jnp.full((L,), 1.0, jnp.float32),
                          zero16))
            return c2
        lax.fori_loop(0, K, edge, 0)

        @pl.when(ci + 1 < nchunks)
        def _():
            wait_g(q)
            issue_g2(q)

        @pl.when(cid == 0)
        def _():
            pltpu.sync_copy(row, acc.at[hb], add=True)
            pltpu.sync_copy(wtail, acc2.at[hb], add=True)

        @pl.when(cid == 1)
        def _():
            pltpu.sync_copy(row, acc.at[rb], add=True)
            pltpu.sync_copy(wtail, acc2.at[rb], add=True)

        @pl.when(ci + 2 < nchunks)
        def _():
            issue_idx(ci + 2, p)

    issue_idx(0, 0)
    wait_idx(0, 0)
    issue_sg(0)
    issue_g1(0)
    wait_g(0)
    issue_g2(0)
    issue_idx(1, 1)

    def pair(ci2, c):
        body(2 * ci2, 0)
        body(2 * ci2 + 1, 1)
        return c
    lax.fori_loop(0, nchunks // 2, pair, 0)

    plsc.subcore_barrier()

    @pl.when(cid == 0)
    def _():
        pltpu.sync_copy(acc.at[pl.ds(row0, rpt)], ha.at[pl.ds(row0, rpt)])
        pltpu.sync_copy(acc2.at[pl.ds(row0, rpt)], hw.at[pl.ds(row0, rpt)])

    @pl.when(cid == 1)
    def _():
        pltpu.sync_copy(acc.at[pl.ds(row0, rpt)], ra.at[pl.ds(row0, rpt)])
        pltpu.sync_copy(acc2.at[pl.ds(row0, rpt)], rw.at[pl.ds(row0, rpt)])


def kernel(triplets, ent_embed, rel_embed, a_w, a_b, a2_w, a2_b):
    n, d = ent_embed.shape
    r = rel_embed.shape[0]
    e = triplets.shape[0]
    f32 = jnp.float32

    np_ = ((max(n, r) + 1 + NS * 8 - 1) // (NS * 8)) * (NS * 8)
    et = ((e + NS * 2 * K - 1) // (NS * 2 * K)) * 2 * K
    ep = NS * et

    ent_p = jnp.pad(ent_embed.astype(f32), ((0, np_ - n), (0, 0)))
    rel_p = jnp.pad(rel_embed.astype(f32), ((0, np_ - r), (0, 0)))

    fill = jnp.broadcast_to(
        jnp.array([[n], [n], [r]], jnp.int32), (3, ep - e))
    tri_t = jnp.concatenate([triplets.T.astype(jnp.int32), fill], axis=1)

    (ph, pt, pr, s_h, s_t, s_r, hidx, tidx, ridx) = pl.pallas_call(
        _prep_body,
        out_shape=[
            jax.ShapeDtypeStruct((np_, d), f32),
            jax.ShapeDtypeStruct((np_, d), f32),
            jax.ShapeDtypeStruct((np_, d), f32),
            jax.ShapeDtypeStruct((np_,), f32),
            jax.ShapeDtypeStruct((np_,), f32),
            jax.ShapeDtypeStruct((np_,), f32),
            jax.ShapeDtypeStruct((ep,), jnp.int32),
            jax.ShapeDtypeStruct((ep,), jnp.int32),
            jax.ShapeDtypeStruct((ep,), jnp.int32),
        ],
    )(ent_p, rel_p, a_w, a_b.reshape(1, d), a2_w, a2_b.reshape(1, 1), tri_t)

    mesh = plsc.VectorSubcoreMesh(core_axis_name="c", subcore_axis_name="s",
                                  num_cores=NC, num_subcores=NS)
    sc_edge = pl.kernel(
        functools.partial(_sc_body, np_, et, d),
        out_type=[
            jax.ShapeDtypeStruct((np_, d), f32),
            jax.ShapeDtypeStruct((np_, L), f32),
            jax.ShapeDtypeStruct((np_, d), f32),
            jax.ShapeDtypeStruct((np_, L), f32),
        ],
        mesh=mesh,
        compiler_params=pltpu.CompilerParams(use_tc_tiling_on_sc=False,
                                             needs_layout_passes=False),
        scratch_types=(
            [pltpu.VMEM((K,), jnp.int32)] * 6
            + [pltpu.VMEM((K, d), f32)] * 2
            + [pltpu.VMEM((K, L), f32)]
            + [pltpu.VMEM((K,), f32)] * 7
            + [pltpu.VMEM_SHARED((np_, d), f32),
               pltpu.VMEM_SHARED((np_, L), f32)]
            + [pltpu.SemaphoreType.DMA] * 6
        ),
    )
    ha, hw, ra, rw = sc_edge(hidx, tidx, ridx, ph, pt, pr, s_h, s_t, s_r)

    he, hr = pl.pallas_call(
        functools.partial(_fin_body, n, r, d),
        out_shape=[
            jax.ShapeDtypeStruct((n, d), f32),
            jax.ShapeDtypeStruct((r, d), f32),
        ],
    )(ha, hw, ra, rw, ph, pr)
    return he, hr

# --- scband reference (transcript-rebuilt; emitter-appended) ---
"""Pipeline reference for scband-kglayer-49082886259209 (READ-ONLY COPY).

The authoritative reference and input builder live on the scoring server;
editing this copy changes nothing except your own understanding.
"""

import jax, jax.numpy as jnp
import numpy as np

N_ENT = 10000
N_REL = 10000
IN_DIM = 128
OUT_DIM = 128
E = 160000


def setup_inputs(seed: int = 0) -> dict:
    key = jax.random.key(seed)
    ks = jax.random.split(key, 7)
    triplets = jax.random.randint(ks[0], (E, 3), 0, N_ENT, dtype=jnp.int32)
    ent_embed = jax.random.normal(ks[1], (N_ENT, IN_DIM), dtype=jnp.float32) * 0.1
    rel_embed = jax.random.normal(ks[2], (N_REL, IN_DIM), dtype=jnp.float32) * 0.1
    a_w = jax.random.normal(ks[3], (OUT_DIM, 3 * IN_DIM), dtype=jnp.float32) * (1.414 / np.sqrt(3 * IN_DIM))
    a_b = jnp.zeros((OUT_DIM,), dtype=jnp.float32)
    a2_w = jax.random.normal(ks[4], (1, OUT_DIM), dtype=jnp.float32) * (1.414 / np.sqrt(OUT_DIM))
    a2_b = jnp.zeros((1,), dtype=jnp.float32)
    return {"triplets": triplets, "ent_embed": ent_embed, "rel_embed": rel_embed,
            "a_w": a_w, "a_b": a_b, "a2_w": a2_w, "a2_b": a2_b}


def reference(triplets, ent_embed, rel_embed, a_w, a_b, a2_w, a2_b):
    N = ent_embed.shape[0]
    R = rel_embed.shape[0]
    # h = cat(ent[head], ent[tail], rel[r])
    h = jnp.concatenate([
        jnp.take(ent_embed, triplets[:, 0], axis=0),
        jnp.take(ent_embed, triplets[:, 1], axis=0),
        jnp.take(rel_embed, triplets[:, 2], axis=0),
    ], axis=1)
    c = h @ a_w.T + a_b
    b = jax.nn.leaky_relu(c @ a2_w.T + a2_b, negative_slope=0.01)
    e_b = jnp.exp(b)
    # SpecialSpmmFinal builds sparse [N, N, F] indexed by (head, tail) and sums over dim=1 (tail)
    # => segment_sum over head index (triplets[:, 0])
    row = triplets[:, 0]
    e_b_sum = jax.ops.segment_sum(e_b, row, num_segments=N)
    temp1 = e_b * c
    h_sum = jax.ops.segment_sum(temp1, row, num_segments=N)
    ebs = jnp.where(e_b_sum == 0.0, 1e-12, e_b_sum)
    h_ent = h_sum / ebs
    # scatter mean over relation index
    rel_idx = triplets[:, 2]
    rel_sum = jax.ops.segment_sum(temp1, rel_idx, num_segments=R)
    cnt = jax.ops.segment_sum(jnp.ones((temp1.shape[0],), dtype=temp1.dtype), rel_idx, num_segments=R)
    h_rel = rel_sum / jnp.maximum(cnt, 1.0)[:, None]
    return jax.nn.elu(h_ent), jax.nn.elu(h_rel)

if __name__ == "__main__":
    import jax
    _d = setup_inputs()
    print(jax.jit(kernel)(*tuple(_d.values())))

</pallas_src>

<mosaic_0001>
#map = affine_map<(d0, d1) -> (0)>
#map1 = affine_map<(d0, d1) -> (0, 0)>
module attributes {stable_mosaic.version = 14 : i64} {
  func.func @_sc_body(%arg0: i32, %arg1: i32, %arg2: memref<163840xi32, #tpu.memory_space<hbm>>, %arg3: memref<163840xi32, #tpu.memory_space<hbm>>, %arg4: memref<163840xi32, #tpu.memory_space<hbm>>, %arg5: memref<10112x128xf32, #tpu.memory_space<hbm>>, %arg6: memref<10112x128xf32, #tpu.memory_space<hbm>>, %arg7: memref<10112x128xf32, #tpu.memory_space<hbm>>, %arg8: memref<10112xf32, #tpu.memory_space<hbm>>, %arg9: memref<10112xf32, #tpu.memory_space<hbm>>, %arg10: memref<10112xf32, #tpu.memory_space<hbm>>, %arg11: memref<10112x128xf32, #tpu.memory_space<hbm>>, %arg12: memref<10112x16xf32, #tpu.memory_space<hbm>>, %arg13: memref<10112x128xf32, #tpu.memory_space<hbm>>, %arg14: memref<10112x16xf32, #tpu.memory_space<hbm>>, %arg15: memref<128xi32, #tpu.memory_space<vmem>>, %arg16: memref<128xi32, #tpu.memory_space<vmem>>, %arg17: memref<128xi32, #tpu.memory_space<vmem>>, %arg18: memref<128xi32, #tpu.memory_space<vmem>>, %arg19: memref<128xi32, #tpu.memory_space<vmem>>, %arg20: memref<128xi32, #tpu.memory_space<vmem>>, %arg21: memref<128x128xf32, #tpu.memory_space<vmem>>, %arg22: memref<128x128xf32, #tpu.memory_space<vmem>>, %arg23: memref<128x16xf32, #tpu.memory_space<vmem>>, %arg24: memref<128xf32, #tpu.memory_space<vmem>>, %arg25: memref<128xf32, #tpu.memory_space<vmem>>, %arg26: memref<128xf32, #tpu.memory_space<vmem>>, %arg27: memref<128xf32, #tpu.memory_space<vmem>>, %arg28: memref<128xf32, #tpu.memory_space<vmem>>, %arg29: memref<128xf32, #tpu.memory_space<vmem>>, %arg30: memref<128xf32, #tpu.memory_space<vmem>>, %arg31: memref<10112x128xf32, #tpu.memory_space<vmem_shared>>, %arg32: memref<10112x16xf32, #tpu.memory_space<vmem_shared>>, %arg33: memref<!tpu.dma_semaphore, #tpu.memory_space<semaphore_mem>>, %arg34: memref<!tpu.dma_semaphore, #tpu.memory_space<semaphore_mem>>, %arg35: memref<!tpu.dma_semaphore, #tpu.memory_space<semaphore_mem>>, %arg36: memref<!tpu.dma_semaphore, #tpu.memory_space<semaphore_mem>>, %arg37: memref<!tpu.dma_semaphore, #tpu.memory_space<semaphore_mem>>, %arg38: memref<!tpu.dma_semaphore, #tpu.memory_space<semaphore_mem>>) attributes {dimension_semantics = [#tpu.dimension_semantics<core_parallel>, #tpu.dimension_semantics<subcore_parallel>], iteration_bounds = array<i64: 2, 16>, scalar_prefetch = 0 : i64, scratch_operands = 24 : i64, tpu.core_type = #tpu.core_type<sc_vector_subcore>, window_params = [{transform_indices = #map}, {transform_indices = #map}, {transform_indices = #map}, {transform_indices = #map1}, {transform_indices = #map1}, {transform_indices = #map1}, {transform_indices = #map}, {transform_indices = #map}, {transform_indices = #map}, {transform_indices = #map1}, {transform_indices = #map1}, {transform_indices = #map1}, {transform_indices = #map1}]} {
    %broadcast_in_dim3A = arith.constant 0.000000e+00 : f32
    %broadcast_in_dim3A_0 = vector.broadcast %broadcast_in_dim3A : f32 to vector<16xf32>
    %scan3A = arith.constant 0 : i32
    %scan3A_1 = arith.constant 0 : i32
    %scan3A_2 = arith.constant 128 : i32
    %scan3A_3 = arith.addi %scan3A_1, %scan3A_2 : i32
    %scan3A_4 = arith.constant 1 : i32
    scf.for %scan3A_121 = %scan3A_1 to %scan3A_3 step %scan3A_4  : i32 {
      %swap3A = arith.index_cast %scan3A_121 : i32 to index
      %swap3A_122 = arith.constant 0 : index
      %swap3A_123 = tpu.vector_load %arg21[%swap3A, %swap3A_122] {strides = array<i32>} : memref<128x128xf32, #tpu.memory_space<vmem>>, vector<16xf32>,
      tpu.vector_store %arg21[%swap3A, %swap3A_122], %broadcast_in_dim3A_0 {strides = array<i32>} : memref<128x128xf32, #tpu.memory_space<vmem>>, vector<16xf32>,
      %swap3A_124 = arith.index_cast %scan3A_121 : i32 to index
      %swap3A_125 = arith.constant 16 : index
      %swap3A_126 = tpu.vector_load %arg21[%swap3A_124, %swap3A_125] {strides = array<i32>} : memref<128x128xf32, #tpu.memory_space<vmem>>, vector<16xf32>,
      tpu.vector_store %arg21[%swap3A_124, %swap3A_125], %broadcast_in_dim3A_0 {strides = array<i32>} : memref<128x128xf32, #tpu.memory_space<vmem>>, vector<16xf32>,
      %swap3A_127 = arith.index_cast %scan3A_121 : i32 to index
      %swap3A_128 = arith.constant 32 : index
      %swap3A_129 = tpu.vector_load %arg21[%swap3A_127, %swap3A_128] {strides = array<i32>} : memref<128x128xf32, #tpu.memory_space<vmem>>, vector<16xf32>,
      tpu.vector_store %arg21[%swap3A_127, %swap3A_128], %broadcast_in_dim3A_0 {strides = array<i32>} : memref<128x128xf32, #tpu.memory_space<vmem>>, vector<16xf32>,
      %swap3A_130 = arith.index_cast %scan3A_121 : i32 to index
      %swap3A_131 = arith.constant 48 : index
      %swap3A_132 = tpu.vector_load %arg21[%swap3A_130, %swap3A_131] {strides = array<i32>} : memref<128x128xf32, #tpu.memory_space<vmem>>, vector<16xf32>,
      tpu.vector_store %arg21[%swap3A_130, %swap3A_131], %broadcast_in_dim3A_0 {strides = array<i32>} : memref<128x128xf32, #tpu.memory_space<vmem>>, vector<16xf32>,
      %swap3A_133 = arith.index_cast %scan3A_121 : i32 to index
      %swap3A_134 = arith.constant 64 : index
      %swap3A_135 = tpu.vector_load %arg21[%swap3A_133, %swap3A_134] {strides = array<i32>} : memref<128x128xf32, #tpu.memory_space<vmem>>, vector<16xf32>,
      tpu.vector_store %arg21[%swap3A_133, %swap3A_134], %broadcast_in_dim3A_0 {strides = array<i32>} : memref<128x128xf32, #tpu.memory_space<vmem>>, vector<16xf32>,
      %swap3A_136 = arith.index_cast %scan3A_121 : i32 to index
      %swap3A_137 = arith.constant 80 : index
      %swap3A_138 = tpu.vector_load %arg21[%swap3A_136, %swap3A_137] {strides = array<i32>} : memref<128x128xf32, #tpu.memory_space<vmem>>, vector<16xf32>,
      tpu.vector_store %arg21[%swap3A_136, %swap3A_137], %broadcast_in_dim3A_0 {strides = array<i32>} : memref<128x128xf32, #tpu.memory_space<vmem>>, vector<16xf32>,
      %swap3A_139 = arith.index_cast %scan3A_121 : i32 to index
      %swap3A_140 = arith.constant 96 : index
      %swap3A_141 = tpu.vector_load %arg21[%swap3A_139, %swap3A_140] {strides = array<i32>} : memref<128x128xf32, #tpu.memory_space<vmem>>, vector<16xf32>,
      tpu.vector_store %arg21[%swap3A_139, %swap3A_140], %broadcast_in_dim3A_0 {strides = array<i32>} : memref<128x128xf32, #tpu.memory_space<vmem>>, vector<16xf32>,
      %swap3A_142 = arith.index_cast %scan3A_121 : i32 to index
      %swap3A_143 = arith.constant 112 : index
      %swap3A_144 = tpu.vector_load %arg21[%swap3A_142, %swap3A_143] {strides = array<i32>} : memref<128x128xf32, #tpu.memory_space<vmem>>, vector<16xf32>,
      tpu.vector_store %arg21[%swap3A_142, %swap3A_143], %broadcast_in_dim3A_0 {strides = array<i32>} : memref<128x128xf32, #tpu.memory_space<vmem>>, vector<16xf32>,
      %swap3A_145 = arith.index_cast %scan3A_121 : i32 to index
      %swap3A_146 = arith.constant 0 : index
      %swap3A_147 = tpu.vector_load %arg23[%swap3A_145, %swap3A_146] {strides = array<i32>} : memref<128x16xf32, #tpu.memory_space<vmem>>, vector<16xf32>,
      tpu.vector_store %arg23[%swap3A_145, %swap3A_146], %broadcast_in_dim3A_0 {strides = array<i32>} : memref<128x16xf32, #tpu.memory_space<vmem>>, vector<16xf32>,
    }
    %scan3A_5 = arith.constant 128 : i32
    %mul3A = arith.constant 632 : i32
    %mul3A_6 = arith.muli %arg1, %mul3A : i32
    %add3A = arith.constant 0 : i32
    %add3A_7 = arith.addi %mul3A_6, %add3A : i32
    "tpu.region"() ({
      %run_scoped3A = tpu.sem_alloc : memref<!tpu.dma_semaphore, #tpu.memory_space<semaphore_mem>>
      %dma_start3A_121 = arith.constant 0 : i32
      %dma_start3A_122 = tpu.memref_slice %arg31[%add3A_7, %dma_start3A_121] : memref<10112x128xf32, #tpu.memory_space<vmem_shared>> -> memref<128x128xf32, #tpu.memory_space<vmem_shared>>
      %dma_start3A_123 = arith.constant 0 : i32
      %dma_start3A_124 = tpu.memref_slice %arg31[%add3A_7, %dma_start3A_123] : memref<10112x128xf32, #tpu.memory_space<vmem_shared>> -> memref<128x128xf32, #tpu.memory_space<vmem_shared>>
      tpu.enqueue_dma source(%arg21 : memref<128x128xf32, #tpu.memory_space<vmem>>) target(%dma_start3A_124 : memref<128x128xf32, #tpu.memory_space<vmem_shared>>) target_semaphore(%run_scoped3A : memref<!tpu.dma_semaphore, #tpu.memory_space<semaphore_mem>>)
      %dma_wait3A_125 = arith.constant 0 : i32
      %dma_wait3A_126 = tpu.memref_slice %arg31[%add3A_7, %dma_wait3A_125] : memref<10112x128xf32, #tpu.memory_space<vmem_shared>> -> memref<128x128xf32, #tpu.memory_space<vmem_shared>>
      %dma_wait3A_127 = arith.constant 0 : i32
      %dma_wait3A_128 = tpu.memref_slice %arg31[%add3A_7, %dma_wait3A_127] : memref<10112x128xf32, #tpu.memory_space<vmem_shared>> -> memref<128x128xf32, #tpu.memory_space<vmem_shared>>
      tpu.wait_dma2 semaphore(%run_scoped3A : memref<!tpu.dma_semaphore, #tpu.memory_space<semaphore_mem>>) src(%arg21 : memref<128x128xf32, #tpu.memory_space<vmem>>) dst(%dma_wait3A_128 : memref<128x128xf32, #tpu.memory_space<vmem_shared>>)
      tpu.yield
    }) : () -> ()
    %add3A_8 = arith.constant 0 : i32
    %add3A_9 = arith.addi %mul3A_6, %add3A_8 : i32
    "tpu.region"() ({
      %run_scoped3A = tpu.sem_alloc : memref<!tpu.dma_semaphore, #tpu.memory_space<semaphore_mem>>
      %dma_start3A_121 = arith.constant 0 : i32
      %dma_start3A_122 = tpu.memref_slice %arg32[%add3A_9, %dma_start3A_121] : memref<10112x16xf32, #tpu.memory_space<vmem_shared>> -> memref<128x16xf32, #tpu.memory_space<vmem_shared>>
      %dma_start3A_123 = arith.constant 0 : i32
      %dma_start3A_124 = tpu.memref_slice %arg32[%add3A_9, %dma_start3A_123] : memref<10112x16xf32, #tpu.memory_space<vmem_shared>> -> memref<128x16xf32, #tpu.memory_space<vmem_shared>>
      tpu.enqueue_dma source(%arg23 : memref<128x16xf32, #tpu.memory_space<vmem>>) target(%dma_start3A_124 : memref<128x16xf32, #tpu.memory_space<vmem_shared>>) target_semaphore(%run_scoped3A : memref<!tpu.dma_semaphore, #tpu.memory_space<semaphore_mem>>)
      %dma_wait3A_125 = arith.constant 0 : i32
      %dma_wait3A_126 = tpu.memref_slice %arg32[%add3A_9, %dma_wait3A_125] : memref<10112x16xf32, #tpu.memory_space<vmem_shared>> -> memref<128x16xf32, #tpu.memory_space<vmem_shared>>
      %dma_wait3A_127 = arith.constant 0 : i32
      %dma_wait3A_128 = tpu.memref_slice %arg32[%add3A_9, %dma_wait3A_127] : memref<10112x16xf32, #tpu.memory_space<vmem_shared>> -> memref<128x16xf32, #tpu.memory_space<vmem_shared>>
      tpu.wait_dma2 semaphore(%run_scoped3A : memref<!tpu.dma_semaphore, #tpu.memory_space<semaphore_mem>>) src(%arg23 : memref<128x16xf32, #tpu.memory_space<vmem>>) dst(%dma_wait3A_128 : memref<128x16xf32, #tpu.memory_space<vmem_shared>>)
      tpu.yield
    }) : () -> ()
    %add3A_10 = arith.constant 128 : i32
    %add3A_11 = arith.addi %mul3A_6, %add3A_10 : i32
    "tpu.region"() ({
      %run_scoped3A = tpu.sem_alloc : memref<!tpu.dma_semaphore, #tpu.memory_space<semaphore_mem>>
      %dma_start3A_121 = arith.constant 0 : i32
      %dma_start3A_122 = tpu.memref_slice %arg31[%add3A_11, %dma_start3A_121] : memref<10112x128xf32, #tpu.memory_space<vmem_shared>> -> memref<128x128xf32, #tpu.memory_space<vmem_shared>>
      %dma_start3A_123 = arith.constant 0 : i32
      %dma_start3A_124 = tpu.memref_slice %arg31[%add3A_11, %dma_start3A_123] : memref<10112x128xf32, #tpu.memory_space<vmem_shared>> -> memref<128x128xf32, #tpu.memory_space<vmem_shared>>
      tpu.enqueue_dma source(%arg21 : memref<128x128xf32, #tpu.memory_space<vmem>>) target(%dma_start3A_124 : memref<128x128xf32, #tpu.memory_space<vmem_shared>>) target_semaphore(%run_scoped3A : memref<!tpu.dma_semaphore, #tpu.memory_space<semaphore_mem>>)
      %dma_wait3A_125 = arith.constant 0 : i32
      %dma_wait3A_126 = tpu.memref_slice %arg31[%add3A_11, %dma_wait3A_125] : memref<10112x128xf32, #tpu.memory_space<vmem_shared>> -> memref<128x128xf32, #tpu.memory_space<vmem_shared>>
      %dma_wait3A_127 = arith.constant 0 : i32
      %dma_wait3A_128 = tpu.memref_slice %arg31[%add3A_11, %dma_wait3A_127] : memref<10112x128xf32, #tpu.memory_space<vmem_shared>> -> memref<128x128xf32, #tpu.memory_space<vmem_shared>>
      tpu.wait_dma2 semaphore(%run_scoped3A : memref<!tpu.dma_semaphore, #tpu.memory_space<semaphore_mem>>) src(%arg21 : memref<128x128xf32, #tpu.memory_space<vmem>>) dst(%dma_wait3A_128 : memref<128x128xf32, #tpu.memory_space<vmem_shared>>)
      tpu.yield
    }) : () -> ()
    %add3A_12 = arith.constant 128 : i32
    %add3A_13 = arith.addi %mul3A_6, %add3A_12 : i32
    "tpu.region"() ({
      %run_scoped3A = tpu.sem_alloc : memref<!tpu.dma_semaphore, #tpu.memory_space<semaphore_mem>>
      %dma_start3A_121 = arith.constant 0 : i32
      %dma_start3A_122 = tpu.memref_slice %arg32[%add3A_13, %dma_start3A_121] : memref<10112x16xf32, #tpu.memory_space<vmem_shared>> -> memref<128x16xf32, #tpu.memory_space<vmem_shared>>
      %dma_start3A_123 = arith.constant 0 : i32
      %dma_start3A_124 = tpu.memref_slice %arg32[%add3A_13, %dma_start3A_123] : memref<10112x16xf32, #tpu.memory_space<vmem_shared>> -> memref<128x16xf32, #tpu.memory_space<vmem_shared>>
      tpu.enqueue_dma source(%arg23 : memref<128x16xf32, #tpu.memory_space<vmem>>) target(%dma_start3A_124 : memref<128x16xf32, #tpu.memory_space<vmem_shared>>) target_semaphore(%run_scoped3A : memref<!tpu.dma_semaphore, #tpu.memory_space<semaphore_mem>>)
      %dma_wait3A_125 = arith.constant 0 : i32
      %dma_wait3A_126 = tpu.memref_slice %arg32[%add3A_13, %dma_wait3A_125] : memref<10112x16xf32, #tpu.memory_space<vmem_shared>> -> memref<128x16xf32, #tpu.memory_space<vmem_shared>>
      %dma_wait3A_127 = arith.constant 0 : i32
      %dma_wait3A_128 = tpu.memref_slice %arg32[%add3A_13, %dma_wait3A_127] : memref<10112x16xf32, #tpu.memory_space<vmem_shared>> -> memref<128x16xf32, #tpu.memory_space<vmem_shared>>
      tpu.wait_dma2 semaphore(%run_scoped3A : memref<!tpu.dma_semaphore, #tpu.memory_space<semaphore_mem>>) src(%arg23 : memref<128x16xf32, #tpu.memory_space<vmem>>) dst(%dma_wait3A_128 : memref<128x16xf32, #tpu.memory_space<vmem_shared>>)
      tpu.yield
    }) : () -> ()
    %add3A_14 = arith.constant 256 : i32
    %add3A_15 = arith.addi %mul3A_6, %add3A_14 : i32
    "tpu.region"() ({
      %run_scoped3A = tpu.sem_alloc : memref<!tpu.dma_semaphore, #tpu.memory_space<semaphore_mem>>
      %dma_start3A_121 = arith.constant 0 : i32
      %dma_start3A_122 = tpu.memref_slice %arg31[%add3A_15, %dma_start3A_121] : memref<10112x128xf32, #tpu.memory_space<vmem_shared>> -> memref<128x128xf32, #tpu.memory_space<vmem_shared>>
      %dma_start3A_123 = arith.constant 0 : i32
      %dma_start3A_124 = tpu.memref_slice %arg31[%add3A_15, %dma_start3A_123] : memref<10112x128xf32, #tpu.memory_space<vmem_shared>> -> memref<128x128xf32, #tpu.memory_space<vmem_shared>>
      tpu.enqueue_dma source(%arg21 : memref<128x128xf32, #tpu.memory_space<vmem>>) target(%dma_start3A_124 : memref<128x128xf32, #tpu.memory_space<vmem_shared>>) target_semaphore(%run_scoped3A : memref<!tpu.dma_semaphore, #tpu.memory_space<semaphore_mem>>)
      %dma_wait3A_125 = arith.constant 0 : i32
      %dma_wait3A_126 = tpu.memref_slice %arg31[%add3A_15, %dma_wait3A_125] : memref<10112x128xf32, #tpu.memory_space<vmem_shared>> -> memref<128x128xf32, #tpu.memory_space<vmem_shared>>
      %dma_wait3A_127 = arith.constant 0 : i32
      %dma_wait3A_128 = tpu.memref_slice %arg31[%add3A_15, %dma_wait3A_127] : memref<10112x128xf32, #tpu.memory_space<vmem_shared>> -> memref<128x128xf32, #tpu.memory_space<vmem_shared>>
      tpu.wait_dma2 semaphore(%run_scoped3A : memref<!tpu.dma_semaphore, #tpu.memory_space<semaphore_mem>>) src(%arg21 : memref<128x128xf32, #tpu.memory_space<vmem>>) dst(%dma_wait3A_128 : memref<128x128xf32, #tpu.memory_space<vmem_shared>>)
      tpu.yield
    }) : () -> ()
    %add3A_16 = arith.constant 256 : i32
    %add3A_17 = arith.addi %mul3A_6, %add3A_16 : i32
    "tpu.region"() ({
      %run_scoped3A = tpu.sem_alloc : memref<!tpu.dma_semaphore, #tpu.memory_space<semaphore_mem>>
      %dma_start3A_121 = arith.constant 0 : i32
      %dma_start3A_122 = tpu.memref_slice %arg32[%add3A_17, %dma_start3A_121] : memref<10112x16xf32, #tpu.memory_space<vmem_shared>> -> memref<128x16xf32, #tpu.memory_space<vmem_shared>>
      %dma_start3A_123 = arith.constant 0 : i32
      %dma_start3A_124 = tpu.memref_slice %arg32[%add3A_17, %dma_start3A_123] : memref<10112x16xf32, #tpu.memory_space<vmem_shared>> -> memref<128x16xf32, #tpu.memory_space<vmem_shared>>
      tpu.enqueue_dma source(%arg23 : memref<128x16xf32, #tpu.memory_space<vmem>>) target(%dma_start3A_124 : memref<128x16xf32, #tpu.memory_space<vmem_shared>>) target_semaphore(%run_scoped3A : memref<!tpu.dma_semaphore, #tpu.memory_space<semaphore_mem>>)
      %dma_wait3A_125 = arith.constant 0 : i32
      %dma_wait3A_126 = tpu.memref_slice %arg32[%add3A_17, %dma_wait3A_125] : memref<10112x16xf32, #tpu.memory_space<vmem_shared>> -> memref<128x16xf32, #tpu.memory_space<vmem_shared>>
      %dma_wait3A_127 = arith.constant 0 : i32
      %dma_wait3A_128 = tpu.memref_slice %arg32[%add3A_17, %dma_wait3A_127] : memref<10112x16xf32, #tpu.memory_space<vmem_shared>> -> memref<128x16xf32, #tpu.memory_space<vmem_shared>>
      tpu.wait_dma2 semaphore(%run_scoped3A : memref<!tpu.dma_semaphore, #tpu.memory_space<semaphore_mem>>) src(%arg23 : memref<128x16xf32, #tpu.memory_space<vmem>>) dst(%dma_wait3A_128 : memref<128x16xf32, #tpu.memory_space<vmem_shared>>)
      tpu.yield
    }) : () -> ()
    %add3A_18 = arith.constant 384 : i32
    %add3A_19 = arith.addi %mul3A_6, %add3A_18 : i32
    "tpu.region"() ({
      %run_scoped3A = tpu.sem_alloc : memref<!tpu.dma_semaphore, #tpu.memory_space<semaphore_mem>>
      %dma_start3A_121 = arith.constant 0 : i32
      %dma_start3A_122 = tpu.memref_slice %arg31[%add3A_19, %dma_start3A_121] : memref<10112x128xf32, #tpu.memory_space<vmem_shared>> -> memref<128x128xf32, #tpu.memory_space<vmem_shared>>
      %dma_start3A_123 = arith.constant 0 : i32
      %dma_start3A_124 = tpu.memref_slice %arg31[%add3A_19, %dma_start3A_123] : memref<10112x128xf32, #tpu.memory_space<vmem_shared>> -> memref<128x128xf32, #tpu.memory_space<vmem_shared>>
      tpu.enqueue_dma source(%arg21 : memref<128x128xf32, #tpu.memory_space<vmem>>) target(%dma_start3A_124 : memref<128x128xf32, #tpu.memory_space<vmem_shared>>) target_semaphore(%run_scoped3A : memref<!tpu.dma_semaphore, #tpu.memory_space<semaphore_mem>>)
      %dma_wait3A_125 = arith.constant 0 : i32
      %dma_wait3A_126 = tpu.memref_slice %arg31[%add3A_19, %dma_wait3A_125] : memref<10112x128xf32, #tpu.memory_space<vmem_shared>> -> memref<128x128xf32, #tpu.memory_space<vmem_shared>>
      %dma_wait3A_127 = arith.constant 0 : i32
      %dma_wait3A_128 = tpu.memref_slice %arg31[%add3A_19, %dma_wait3A_127] : memref<10112x128xf32, #tpu.memory_space<vmem_shared>> -> memref<128x128xf32, #tpu.memory_space<vmem_shared>>
      tpu.wait_dma2 semaphore(%run_scoped3A : memref<!tpu.dma_semaphore, #tpu.memory_space<semaphore_mem>>) src(%arg21 : memref<128x128xf32, #tpu.memory_space<vmem>>) dst(%dma_wait3A_128 : memref<128x128xf32, #tpu.memory_space<vmem_shared>>)
      tpu.yield
    }) : () -> ()
    %add3A_20 = arith.constant 384 : i32
    %add3A_21 = arith.addi %mul3A_6, %add3A_20 : i32
    "tpu.region"() ({
      %run_scoped3A = tpu.sem_alloc : memref<!tpu.dma_semaphore, #tpu.memory_space<semaphore_mem>>
      %dma_start3A_121 = arith.constant 0 : i32
      %dma_start3A_122 = tpu.memref_slice %arg32[%add3A_21, %dma_start3A_121] : memref<10112x16xf32, #tpu.memory_space<vmem_shared>> -> memref<128x16xf32, #tpu.memory_space<vmem_shared>>
      %dma_start3A_123 = arith.constant 0 : i32
      %dma_start3A_124 = tpu.memref_slice %arg32[%add3A_21, %dma_start3A_123] : memref<10112x16xf32, #tpu.memory_space<vmem_shared>> -> memref<128x16xf32, #tpu.memory_space<vmem_shared>>
      tpu.enqueue_dma source(%arg23 : memref<128x16xf32, #tpu.memory_space<vmem>>) target(%dma_start3A_124 : memref<128x16xf32, #tpu.memory_space<vmem_shared>>) target_semaphore(%run_scoped3A : memref<!tpu.dma_semaphore, #tpu.memory_space<semaphore_mem>>)
      %dma_wait3A_125 = arith.constant 0 : i32
      %dma_wait3A_126 = tpu.memref_slice %arg32[%add3A_21, %dma_wait3A_125] : memref<10112x16xf32, #tpu.memory_space<vmem_shared>> -> memref<128x16xf32, #tpu.memory_space<vmem_shared>>
      %dma_wait3A_127 = arith.constant 0 : i32
      %dma_wait3A_128 = tpu.memref_slice %arg32[%add3A_21, %dma_wait3A_127] : memref<10112x16xf32, #tpu.memory_space<vmem_shared>> -> memref<128x16xf32, #tpu.memory_space<vmem_shared>>
      tpu.wait_dma2 semaphore(%run_scoped3A : memref<!tpu.dma_semaphore, #tpu.memory_space<semaphore_mem>>) src(%arg23 : memref<128x16xf32, #tpu.memory_space<vmem>>) dst(%dma_wait3A_128 : memref<128x16xf32, #tpu.memory_space<vmem_shared>>)
      tpu.yield
    }) : () -> ()
    %add3A_22 = arith.constant 512 : i32
    %add3A_23 = arith.addi %mul3A_6, %add3A_22 : i32
    "tpu.region"() ({
      %run_scoped3A = tpu.sem_alloc : memref<!tpu.dma_semaphore, #tpu.memory_space<semaphore_mem>>
      %dma_start3A_121 = arith.constant 0 : i32
      %dma_start3A_122 = arith.constant 0 : i32
      %dma_start3A_123 = tpu.memref_slice %arg21[%dma_start3A_121, %dma_start3A_122] : memref<128x128xf32, #tpu.memory_space<vmem>> -> memref<120x128xf32, #tpu.memory_space<vmem>>
      %dma_start3A_124 = arith.constant 0 : i32
      %dma_start3A_125 = tpu.memref_slice %arg31[%add3A_23, %dma_start3A_124] : memref<10112x128xf32, #tpu.memory_space<vmem_shared>> -> memref<120x128xf32, #tpu.memory_space<vmem_shared>>
      %dma_start3A_126 = arith.constant 0 : i32
      %dma_start3A_127 = tpu.memref_slice %arg31[%add3A_23, %dma_start3A_126] : memref<10112x128xf32, #tpu.memory_space<vmem_shared>> -> memref<120x128xf32, #tpu.memory_space<vmem_shared>>
      %dma_start3A_128 = arith.constant 0 : i32
      %dma_start3A_129 = arith.constant 0 : i32
      %dma_start3A_130 = tpu.memref_slice %arg21[%dma_start3A_128, %dma_start3A_129] : memref<128x128xf32, #tpu.memory_space<vmem>> -> memref<120x128xf32, #tpu.memory_space<vmem>>
      tpu.enqueue_dma source(%dma_start3A_130 : memref<120x128xf32, #tpu.memory_space<vmem>>) target(%dma_start3A_127 : memref<120x128xf32, #tpu.memory_space<vmem_shared>>) target_semaphore(%run_scoped3A : memref<!tpu.dma_semaphore, #tpu.memory_space<semaphore_mem>>)
      %dma_wait3A_131 = arith.constant 0 : i32
      %dma_wait3A_132 = arith.constant 0 : i32
      %dma_wait3A_133 = tpu.memref_slice %arg21[%dma_wait3A_131, %dma_wait3A_132] : memref<128x128xf32, #tpu.memory_space<vmem>> -> memref<120x128xf32, #tpu.memory_space<vmem>>
      %dma_wait3A_134 = arith.constant 0 : i32
      %dma_wait3A_135 = tpu.memref_slice %arg31[%add3A_23, %dma_wait3A_134] : memref<10112x128xf32, #tpu.memory_space<vmem_shared>> -> memref<120x128xf32, #tpu.memory_space<vmem_shared>>
      %dma_wait3A_136 = arith.constant 0 : i32
      %dma_wait3A_137 = tpu.memref_slice %arg31[%add3A_23, %dma_wait3A_136] : memref<10112x128xf32, #tpu.memory_space<vmem_shared>> -> memref<120x128xf32, #tpu.memory_space<vmem_shared>>
      %dma_wait3A_138 = arith.constant 0 : i32
      %dma_wait3A_139 = arith.constant 0 : i32
      %dma_wait3A_140 = tpu.memref_slice %arg21[%dma_wait3A_138, %dma_wait3A_139] : memref<128x128xf32, #tpu.memory_space<vmem>> -> memref<120x128xf32, #tpu.memory_space<vmem>>
      tpu.wait_dma2 semaphore(%run_scoped3A : memref<!tpu.dma_semaphore, #tpu.memory_space<semaphore_mem>>) src(%dma_wait3A_140 : memref<120x128xf32, #tpu.memory_space<vmem>>) dst(%dma_wait3A_137 : memref<120x128xf32, #tpu.memory_space<vmem_shared>>)
      tpu.yield
    }) : () -> ()
    %add3A_24 = arith.constant 512 : i32
    %add3A_25 = arith.addi %mul3A_6, %add3A_24 : i32
    "tpu.region"() ({
      %run_scoped3A = tpu.sem_alloc : memref<!tpu.dma_semaphore, #tpu.memory_space<semaphore_mem>>
      %dma_start3A_121 = arith.constant 0 : i32
      %dma_start3A_122 = arith.constant 0 : i32
      %dma_start3A_123 = tpu.memref_slice %arg23[%dma_start3A_121, %dma_start3A_122] : memref<128x16xf32, #tpu.memory_space<vmem>> -> memref<120x16xf32, #tpu.memory_space<vmem>>
      %dma_start3A_124 = arith.constant 0 : i32
      %dma_start3A_125 = tpu.memref_slice %arg32[%add3A_25, %dma_start3A_124] : memref<10112x16xf32, #tpu.memory_space<vmem_shared>> -> memref<120x16xf32, #tpu.memory_space<vmem_shared>>
      %dma_start3A_126 = arith.constant 0 : i32
      %dma_start3A_127 = tpu.memref_slice %arg32[%add3A_25, %dma_start3A_126] : memref<10112x16xf32, #tpu.memory_space<vmem_shared>> -> memref<120x16xf32, #tpu.memory_space<vmem_shared>>
      %dma_start3A_128 = arith.constant 0 : i32
      %dma_start3A_129 = arith.constant 0 : i32
      %dma_start3A_130 = tpu.memref_slice %arg23[%dma_start3A_128, %dma_start3A_129] : memref<128x16xf32, #tpu.memory_space<vmem>> -> memref<120x16xf32, #tpu.memory_space<vmem>>
      tpu.enqueue_dma source(%dma_start3A_130 : memref<120x16xf32, #tpu.memory_space<vmem>>) target(%dma_start3A_127 : memref<120x16xf32, #tpu.memory_space<vmem_shared>>) target_semaphore(%run_scoped3A : memref<!tpu.dma_semaphore, #tpu.memory_space<semaphore_mem>>)
      %dma_wait3A_131 = arith.constant 0 : i32
      %dma_wait3A_132 = arith.constant 0 : i32
      %dma_wait3A_133 = tpu.memref_slice %arg23[%dma_wait3A_131, %dma_wait3A_132] : memref<128x16xf32, #tpu.memory_space<vmem>> -> memref<120x16xf32, #tpu.memory_space<vmem>>
      %dma_wait3A_134 = arith.constant 0 : i32
      %dma_wait3A_135 = tpu.memref_slice %arg32[%add3A_25, %dma_wait3A_134] : memref<10112x16xf32, #tpu.memory_space<vmem_shared>> -> memref<120x16xf32, #tpu.memory_space<vmem_shared>>
      %dma_wait3A_136 = arith.constant 0 : i32
      %dma_wait3A_137 = tpu.memref_slice %arg32[%add3A_25, %dma_wait3A_136] : memref<10112x16xf32, #tpu.memory_space<vmem_shared>> -> memref<120x16xf32, #tpu.memory_space<vmem_shared>>
      %dma_wait3A_138 = arith.constant 0 : i32
      %dma_wait3A_139 = arith.constant 0 : i32
      %dma_wait3A_140 = tpu.memref_slice %arg23[%dma_wait3A_138, %dma_wait3A_139] : memref<128x16xf32, #tpu.memory_space<vmem>> -> memref<120x16xf32, #tpu.memory_space<vmem>>
      tpu.wait_dma2 semaphore(%run_scoped3A : memref<!tpu.dma_semaphore, #tpu.memory_space<semaphore_mem>>) src(%dma_wait3A_140 : memref<120x16xf32, #tpu.memory_space<vmem>>) dst(%dma_wait3A_137 : memref<120x16xf32, #tpu.memory_space<vmem_shared>>)
      tpu.yield
    }) : () -> ()
    %barrier3A = arith.constant 0 : index
    tpu.barrier barrier_id(%barrier3A)
    %iota3A = tpu.iota {dimensions = array<i32: 0>} : vector<16xi32>
    %mul3A_26 = arith.constant 10240 : i32
    %mul3A_27 = arith.muli %arg1, %mul3A_26 : i32
    %add3A_28 = arith.constant 0 : i32
    %add3A_29 = arith.addi %mul3A_27, %add3A_28 : i32
    %dma_start3A = tpu.memref_slice %arg2[%add3A_29] : memref<163840xi32, #tpu.memory_space<hbm>> -> memref<128xi32, #tpu.memory_space<hbm>>
    %dma_start3A_30 = tpu.memref_slice %arg2[%add3A_29] : memref<163840xi32, #tpu.memory_space<hbm>> -> memref<128xi32, #tpu.memory_space<hbm>>
    tpu.enqueue_dma source(%dma_start3A_30 : memref<128xi32, #tpu.memory_space<hbm>>) target(%arg15 : memref<128xi32, #tpu.memory_space<vmem>>) target_semaphore(%arg33 : memref<!tpu.dma_semaphore, #tpu.memory_space<semaphore_mem>>)
    %mul3A_31 = arith.constant 10240 : i32
    %mul3A_32 = arith.muli %arg1, %mul3A_31 : i32
    %add3A_33 = arith.constant 0 : i32
    %add3A_34 = arith.addi %mul3A_32, %add3A_33 : i32
    %dma_start3A_35 = tpu.memref_slice %arg3[%add3A_34] : memref<163840xi32, #tpu.memory_space<hbm>> -> memref<128xi32, #tpu.memory_space<hbm>>
    %dma_start3A_36 = tpu.memref_slice %arg3[%add3A_34] : memref<163840xi32, #tpu.memory_space<hbm>> -> memref<128xi32, #tpu.memory_space<hbm>>
    tpu.enqueue_dma source(%dma_start3A_36 : memref<128xi32, #tpu.memory_space<hbm>>) target(%arg16 : memref<128xi32, #tpu.memory_space<vmem>>) target_semaphore(%arg33 : memref<!tpu.dma_semaphore, #tpu.memory_space<semaphore_mem>>)
    %mul3A_37 = arith.constant 10240 : i32
    %mul3A_38 = arith.muli %arg1, %mul3A_37 : i32
    %add3A_39 = arith.constant 0 : i32
    %add3A_40 = arith.addi %mul3A_38, %add3A_39 : i32
    %dma_start3A_41 = tpu.memref_slice %arg4[%add3A_40] : memref<163840xi32, #tpu.memory_space<hbm>> -> memref<128xi32, #tpu.memory_space<hbm>>
    %dma_start3A_42 = tpu.memref_slice %arg4[%add3A_40] : memref<163840xi32, #tpu.memory_space<hbm>> -> memref<128xi32, #tpu.memory_space<hbm>>
    tpu.enqueue_dma source(%dma_start3A_42 : memref<128xi32, #tpu.memory_space<hbm>>) target(%arg17 : memref<128xi32, #tpu.memory_space<vmem>>) target_semaphore(%arg33 : memref<!tpu.dma_semaphore, #tpu.memory_space<semaphore_mem>>)
    %mul3A_43 = arith.constant 10240 : i32
    %mul3A_44 = arith.muli %arg1, %mul3A_43 : i32
    %add3A_45 = arith.constant 0 : i32
    %add3A_46 = arith.addi %mul3A_44, %add3A_45 : i32
    %dma_wait3A = tpu.memref_slice %arg2[%add3A_46] : memref<163840xi32, #tpu.memory_space<hbm>> -> memref<128xi32, #tpu.memory_space<hbm>>
    %dma_wait3A_47 = tpu.memref_slice %arg2[%add3A_46] : memref<163840xi32, #tpu.memory_space<hbm>> -> memref<128xi32, #tpu.memory_space<hbm>>
    tpu.wait_dma2 semaphore(%arg33 : memref<!tpu.dma_semaphore, #tpu.memory_space<semaphore_mem>>) src(%dma_wait3A_47 : memref<128xi32, #tpu.memory_space<hbm>>) dst(%arg15 : memref<128xi32, #tpu.memory_space<vmem>>)
    %mul3A_48 = arith.constant 10240 : i32
    %mul3A_49 = arith.muli %arg1, %mul3A_48 : i32
    %add3A_50 = arith.constant 0 : i32
    %add3A_51 = arith.addi %mul3A_49, %add3A_50 : i32
    %dma_wait3A_52 = tpu.memref_slice %arg3[%add3A_51] : memref<163840xi32, #tpu.memory_space<hbm>> -> memref<128xi32, #tpu.memory_space<hbm>>
    %dma_wait3A_53 = tpu.memref_slice %arg3[%add3A_51] : memref<163840xi32, #tpu.memory_space<hbm>> -> memref<128xi32, #tpu.memory_space<hbm>>
    tpu.wait_dma2 semaphore(%arg33 : memref<!tpu.dma_semaphore, #tpu.memory_space<semaphore_mem>>) src(%dma_wait3A_53 : memref<128xi32, #tpu.memory_space<hbm>>) dst(%arg16 : memref<128xi32, #tpu.memory_space<vmem>>)
    %mul3A_54 = arith.constant 10240 : i32
    %mul3A_55 = arith.muli %arg1, %mul3A_54 : i32
    %add3A_56 = arith.constant 0 : i32
    %add3A_57 = arith.addi %mul3A_55, %add3A_56 : i32
    %dma_wait3A_58 = tpu.memref_slice %arg4[%add3A_57] : memref<163840xi32, #tpu.memory_space<hbm>> -> memref<128xi32, #tpu.memory_space<hbm>>
    %dma_wait3A_59 = tpu.memref_slice %arg4[%add3A_57] : memref<163840xi32, #tpu.memory_space<hbm>> -> memref<128xi32, #tpu.memory_space<hbm>>
    tpu.wait_dma2 semaphore(%arg33 : memref<!tpu.dma_semaphore, #tpu.memory_space<semaphore_mem>>) src(%dma_wait3A_59 : memref<128xi32, #tpu.memory_space<hbm>>) dst(%arg17 : memref<128xi32, #tpu.memory_space<vmem>>)
    %dma_start3A_60 = arith.constant 0 : i32
    %dma_start3A_61 = tpu.memref_slice %arg8[%dma_start3A_60] : memref<10112xf32, #tpu.memory_space<hbm>> -> memref<10112xf32, #tpu.memory_space<hbm>>
    tpu.enqueue_indirect_dma source(%dma_start3A_61 : memref<10112xf32, #tpu.memory_space<hbm>>) target(%arg25 : memref<128xf32, #tpu.memory_space<vmem>>) offsets(%arg15 : memref<128xi32, #tpu.memory_space<vmem>>) semaphore(%arg35 : memref<!tpu.dma_semaphore, #tpu.memory_space<semaphore_mem>>)
    %dma_start3A_62 = arith.constant 0 : i32
    %dma_start3A_63 = tpu.memref_slice %arg9[%dma_start3A_62] : memref<10112xf32, #tpu.memory_space<hbm>> -> memref<10112xf32, #tpu.memory_space<hbm>>
    tpu.enqueue_indirect_dma source(%dma_start3A_63 : memref<10112xf32, #tpu.memory_space<hbm>>) target(%arg26 : memref<128xf32, #tpu.memory_space<vmem>>) offsets(%arg16 : memref<128xi32, #tpu.memory_space<vmem>>) semaphore(%arg35 : memref<!tpu.dma_semaphore, #tpu.memory_space<semaphore_mem>>)
    %dma_start3A_64 = arith.constant 0 : i32
    %dma_start3A_65 = tpu.memref_slice %arg10[%dma_start3A_64] : memref<10112xf32, #tpu.memory_space<hbm>> -> memref<10112xf32, #tpu.memory_space<hbm>>
    tpu.enqueue_indirect_dma source(%dma_start3A_65 : memref<10112xf32, #tpu.memory_space<hbm>>) target(%arg27 : memref<128xf32, #tpu.memory_space<vmem>>) offsets(%arg17 : memref<128xi32, #tpu.memory_space<vmem>>) semaphore(%arg35 : memref<!tpu.dma_semaphore, #tpu.memory_space<semaphore_mem>>)
    %eq3A = arith.constant 0 : i32
    %eq3A_66 = arith.cmpi eq, %arg0, %eq3A : i32
    %convert_element_type3A = arith.extui %eq3A_66 : i1 to i32
    %cond3A = arith.constant 0 : i32
    %cond3A_67 = arith.cmpi ne, %convert_element_type3A, %cond3A : i32
    scf.if %cond3A_67 {
      %dma_start3A_121 = arith.constant 0 : i32
      %dma_start3A_122 = arith.constant 0 : i32
      %dma_start3A_123 = tpu.memref_slice %arg6[%dma_start3A_121, %dma_start3A_122] : memref<10112x128xf32, #tpu.memory_space<hbm>> -> memref<10112x128xf32, #tpu.memory_space<hbm>>
      tpu.enqueue_indirect_dma source(%dma_start3A_123 : memref<10112x128xf32, #tpu.memory_space<hbm>>) target(%arg21 : memref<128x128xf32, #tpu.memory_space<vmem>>) offsets(%arg16 : memref<128xi32, #tpu.memory_space<vmem>>) semaphore(%arg37 : memref<!tpu.dma_semaphore, #tpu.memory_space<semaphore_mem>>)
    } else {
    }
    %eq3A_68 = arith.constant 1 : i32
    %eq3A_69 = arith.cmpi eq, %arg0, %eq3A_68 : i32
    %convert_element_type3A_70 = arith.extui %eq3A_69 : i1 to i32
    %cond3A_71 = arith.constant 0 : i32
    %cond3A_72 = arith.cmpi ne, %convert_element_type3A_70, %cond3A_71 : i32
    scf.if %cond3A_72 {
      %dma_start3A_121 = arith.constant 0 : i32
      %dma_start3A_122 = arith.constant 0 : i32
      %dma_start3A_123 = tpu.memref_slice %arg5[%dma_start3A_121, %dma_start3A_122] : memref<10112x128xf32, #tpu.memory_space<hbm>> -> memref<10112x128xf32, #tpu.memory_space<hbm>>
      tpu.enqueue_indirect_dma source(%dma_start3A_123 : memref<10112x128xf32, #tpu.memory_space<hbm>>) target(%arg21 : memref<128x128xf32, #tpu.memory_space<vmem>>) offsets(%arg15 : memref<128xi32, #tpu.memory_space<vmem>>) semaphore(%arg37 : memref<!tpu.dma_semaphore, #tpu.memory_space<semaphore_mem>>)
    } else {
    }
    %dma_wait3A_73 = arith.constant 0 : i32
    %dma_wait3A_74 = arith.constant 0 : i32
    %dma_wait3A_75 = tpu.memref_slice %arg6[%dma_wait3A_73, %dma_wait3A_74] : memref<10112x128xf32, #tpu.memory_space<hbm>> -> memref<10112x128xf32, #tpu.memory_space<hbm>>
    tpu.wait_indirect_dma semaphore(%arg37 : memref<!tpu.dma_semaphore, #tpu.memory_space<semaphore_mem>>) src(%dma_wait3A_75 : memref<10112x128xf32, #tpu.memory_space<hbm>>) dst(%arg21 : memref<128x128xf32, #tpu.memory_space<vmem>>)
    %eq3A_76 = arith.constant 0 : i32
    %eq3A_77 = arith.cmpi eq, %arg0, %eq3A_76 : i32
    %convert_element_type3A_78 = arith.extui %eq3A_77 : i1 to i32
    %cond3A_79 = arith.constant 0 : i32
    %cond3A_80 = arith.cmpi ne, %convert_element_type3A_78, %cond3A_79 : i32
    scf.if %cond3A_80 {
      %dma_start3A_121 = arith.constant 0 : i32
      %dma_start3A_122 = arith.constant 0 : i32
      %dma_start3A_123 = tpu.memref_slice %arg7[%dma_start3A_121, %dma_start3A_122] : memref<10112x128xf32, #tpu.memory_space<hbm>> -> memref<10112x128xf32, #tpu.memory_space<hbm>>
      tpu.enqueue_indirect_dma source(%dma_start3A_123 : memref<10112x128xf32, #tpu.memory_space<hbm>>) target(%arg21 : memref<128x128xf32, #tpu.memory_space<vmem>>) offsets(%arg17 : memref<128xi32, #tpu.memory_space<vmem>>) semaphore(%arg37 : memref<!tpu.dma_semaphore, #tpu.memory_space<semaphore_mem>>) {add = true}
    } else {
    }
    %eq3A_81 = arith.constant 1 : i32
    %eq3A_82 = arith.cmpi eq, %arg0, %eq3A_81 : i32
    %convert_element_type3A_83 = arith.extui %eq3A_82 : i1 to i32
    %cond3A_84 = arith.constant 0 : i32
    %cond3A_85 = arith.cmpi ne, %convert_element_type3A_83, %cond3A_84 : i32
    scf.if %cond3A_85 {
      %dma_start3A_121 = arith.constant 0 : i32
      %dma_start3A_122 = arith.constant 0 : i32
      %dma_start3A_123 = tpu.memref_slice %arg6[%dma_start3A_121, %dma_start3A_122] : memref<10112x128xf32, #tpu.memory_space<hbm>> -> memref<10112x128xf32, #tpu.memory_space<hbm>>
      tpu.enqueue_indirect_dma source(%dma_start3A_123 : memref<10112x128xf32, #tpu.memory_space<hbm>>) target(%arg21 : memref<128x128xf32, #tpu.memory_space<vmem>>) offsets(%arg16 : memref<128xi32, #tpu.memory_space<vmem>>) semaphore(%arg37 : memref<!tpu.dma_semaphore, #tpu.memory_space<semaphore_mem>>) {add = true}
    } else {
    }
    %mul3A_86 = arith.constant 10240 : i32
    %mul3A_87 = arith.muli %arg1, %mul3A_86 : i32
    %add3A_88 = arith.constant 128 : i32
    %add3A_89 = arith.addi %mul3A_87, %add3A_88 : i32
    %dma_start3A_90 = tpu.memref_slice %arg2[%add3A_89] : memref<163840xi32, #tpu.memory_space<hbm>> -> memref<128xi32, #tpu.memory_space<hbm>>
    %dma_start3A_91 = tpu.memref_slice %arg2[%add3A_89] : memref<163840xi32, #tpu.memory_space<hbm>> -> memref<128xi32, #tpu.memory_space<hbm>>
    tpu.enqueue_dma source(%dma_start3A_91 : memref<128xi32, #tpu.memory_space<hbm>>) target(%arg18 : memref<128xi32, #tpu.memory_space<vmem>>) target_semaphore(%arg34 : memref<!tpu.dma_semaphore, #tpu.memory_space<semaphore_mem>>)
    %mul3A_92 = arith.constant 10240 : i32
    %mul3A_93 = arith.muli %arg1, %mul3A_92 : i32
    %add3A_94 = arith.constant 128 : i32
    %add3A_95 = arith.addi %mul3A_93, %add3A_94 : i32
    %dma_start3A_96 = tpu.memref_slice %arg3[%add3A_95] : memref<163840xi32, #tpu.memory_space<hbm>> -> memref<128xi32, #tpu.memory_space<hbm>>
    %dma_start3A_97 = tpu.memref_slice %arg3[%add3A_95] : memref<163840xi32, #tpu.memory_space<hbm>> -> memref<128xi32, #tpu.memory_space<hbm>>
    tpu.enqueue_dma source(%dma_start3A_97 : memref<128xi32, #tpu.memory_space<hbm>>) target(%arg19 : memref<128xi32, #tpu.memory_space<vmem>>) target_semaphore(%arg34 : memref<!tpu.dma_semaphore, #tpu.memory_space<semaphore_mem>>)
    %mul3A_98 = arith.constant 10240 : i32
    %mul3A_99 = arith.muli %arg1, %mul3A_98 : i32
    %add3A_100 = arith.constant 128 : i32
    %add3A_101 = arith.addi %mul3A_99, %add3A_100 : i32
    %dma_start3A_102 = tpu.memref_slice %arg4[%add3A_101] : memref<163840xi32, #tpu.memory_space<hbm>> -> memref<128xi32, #tpu.memory_space<hbm>>
    %dma_start3A_103 = tpu.memref_slice %arg4[%add3A_101] : memref<163840xi32, #tpu.memory_space<hbm>> -> memref<128xi32, #tpu.memory_space<hbm>>
    tpu.enqueue_dma source(%dma_start3A_103 : memref<128xi32, #tpu.memory_space<hbm>>) target(%arg20 : memref<128xi32, #tpu.memory_space<vmem>>) target_semaphore(%arg34 : memref<!tpu.dma_semaphore, #tpu.memory_space<semaphore_mem>>)
    %scan3A_104 = arith.constant 0 : i32
    %scan3A_105 = arith.constant 0 : i32
    %scan3A_106 = arith.constant 40 : i32
    %scan3A_107 = arith.addi %scan3A_105, %scan3A_106 : i32
    %scan3A_108 = arith.constant 1 : i32
    scf.for %scan3A_121 = %scan3A_105 to %scan3A_107 step %scan3A_108  : i32 {
      %mul3A_122 = arith.constant 2 : i32
      %mul3A_123 = arith.muli %mul3A_122, %scan3A_121 : i32
      %dma_wait3A_124 = arith.constant 0 : i32
      %dma_wait3A_125 = arith.constant 0 : i32
      %dma_wait3A_126 = tpu.memref_slice %arg6[%dma_wait3A_124, %dma_wait3A_125] : memref<10112x128xf32, #tpu.memory_space<hbm>> -> memref<10112x128xf32, #tpu.memory_space<hbm>>
      tpu.wait_indirect_dma semaphore(%arg37 : memref<!tpu.dma_semaphore, #tpu.memory_space<semaphore_mem>>) src(%dma_wait3A_126 : memref<10112x128xf32, #tpu.memory_space<hbm>>) dst(%arg21 : memref<128x128xf32, #tpu.memory_space<vmem>>)
      %dma_wait3A_127 = arith.constant 0 : i32
      %dma_wait3A_128 = tpu.memref_slice %arg8[%dma_wait3A_127] : memref<10112xf32, #tpu.memory_space<hbm>> -> memref<10112xf32, #tpu.memory_space<hbm>>
      tpu.wait_indirect_dma semaphore(%arg35 : memref<!tpu.dma_semaphore, #tpu.memory_space<semaphore_mem>>) src(%dma_wait3A_128 : memref<10112xf32, #tpu.memory_space<hbm>>) dst(%arg25 : memref<128xf32, #tpu.memory_space<vmem>>)
      %dma_wait3A_129 = arith.constant 0 : i32
      %dma_wait3A_130 = tpu.memref_slice %arg9[%dma_wait3A_129] : memref<10112xf32, #tpu.memory_space<hbm>> -> memref<10112xf32, #tpu.memory_space<hbm>>
      tpu.wait_indirect_dma semaphore(%arg35 : memref<!tpu.dma_semaphore, #tpu.memory_space<semaphore_mem>>) src(%dma_wait3A_130 : memref<10112xf32, #tpu.memory_space<hbm>>) dst(%arg26 : memref<128xf32, #tpu.memory_space<vmem>>)
      %dma_wait3A_131 = arith.constant 0 : i32
      %dma_wait3A_132 = tpu.memref_slice %arg10[%dma_wait3A_131] : memref<10112xf32, #tpu.memory_space<hbm>> -> memref<10112xf32, #tpu.memory_space<hbm>>
      tpu.wait_indirect_dma semaphore(%arg35 : memref<!tpu.dma_semaphore, #tpu.memory_space<semaphore_mem>>) src(%dma_wait3A_132 : memref<10112xf32, #tpu.memory_space<hbm>>) dst(%arg27 : memref<128xf32, #tpu.memory_space<vmem>>)
      %scan3A_133 = arith.constant 0 : i32
      %scan3A_134 = arith.constant 0 : i32
      %scan3A_135 = arith.constant 8 : i32
      %scan3A_136 = arith.addi %scan3A_134, %scan3A_135 : i32
      %scan3A_137 = arith.constant 1 : i32
      scf.for %scan3A_231 = %scan3A_134 to %scan3A_136 step %scan3A_137  : i32 {
        %mul3A_232 = arith.constant 16 : i32
        %mul3A_233 = arith.muli %scan3A_231, %mul3A_232 : i32
        %get3A = arith.index_cast %mul3A_233 : i32 to index
        %get3A_234 = tpu.vector_load %arg25[%get3A] {strides = array<i32>} : memref<128xf32, #tpu.memory_space<vmem>>, vector<16xf32>,
        %mul3A_235 = arith.constant 16 : i32
        %mul3A_236 = arith.muli %scan3A_231, %mul3A_235 : i32
        %get3A_237 = arith.index_cast %mul3A_236 : i32 to index
        %get3A_238 = tpu.vector_load %arg26[%get3A_237] {strides = array<i32>} : memref<128xf32, #tpu.memory_space<vmem>>, vector<16xf32>,
        %add3A_239 = arith.addf %get3A_234, %get3A_238 : vector<16xf32>
        %mul3A_240 = arith.constant 16 : i32
        %mul3A_241 = arith.muli %scan3A_231, %mul3A_240 : i32
        %get3A_242 = arith.index_cast %mul3A_241 : i32 to index
        %get3A_243 = tpu.vector_load %arg27[%get3A_242] {strides = array<i32>} : memref<128xf32, #tpu.memory_space<vmem>>, vector<16xf32>,
        %add3A_244 = arith.addf %add3A_239, %get3A_243 : vector<16xf32>
        %mul3A_245 = arith.constant 0.00999999977 : f32
        %mul3A_246 = vector.broadcast %mul3A_245 : f32 to vector<16xf32>
        %mul3A_247 = arith.mulf %add3A_244, %mul3A_246 : vector<16xf32>
        %max3A = arith.maximumf %add3A_244, %mul3A_247 : vector<16xf32>
        %exp3A = math.exp %max3A : vector<16xf32>
        %mul3A_248 = arith.constant 16 : i32
        %mul3A_249 = arith.muli %scan3A_231, %mul3A_248 : i32
        %swap3A = arith.index_cast %mul3A_249 : i32 to index
        %swap3A_250 = tpu.vector_load %arg24[%swap3A] {strides = array<i32>} : memref<128xf32, #tpu.memory_space<vmem>>, vector<16xf32>,
        tpu.vector_store %arg24[%swap3A], %exp3A {strides = array<i32>} : memref<128xf32, #tpu.memory_space<vmem>>, vector<16xf32>,
      }
      %scan3A_138 = arith.constant 8 : i32
      %add3A_139 = arith.constant 1 : i32
      %add3A_140 = arith.addi %mul3A_123, %add3A_139 : i32
      %lt3A = arith.constant 80 : i32
      %lt3A_141 = arith.cmpi slt, %add3A_140, %lt3A : i32
      %convert_element_type3A_142 = arith.extui %lt3A_141 : i1 to i32
      %cond3A_143 = arith.constant 0 : i32
      %cond3A_144 = arith.cmpi ne, %convert_element_type3A_142, %cond3A_143 : i32
      scf.if %cond3A_144 {
        %add3A_231 = arith.constant 1 : i32
        %add3A_232 = arith.addi %mul3A_123, %add3A_231 : i32
        %mul3A_233 = arith.constant 10240 : i32
        %mul3A_234 = arith.muli %arg1, %mul3A_233 : i32
        %mul3A_235 = arith.constant 128 : i32
        %mul3A_236 = arith.muli %add3A_232, %mul3A_235 : i32
        %add3A_237 = arith.addi %mul3A_234, %mul3A_236 : i32
        %dma_wait3A_238 = tpu.memref_slice %arg2[%add3A_237] : memref<163840xi32, #tpu.memory_space<hbm>> -> memref<128xi32, #tpu.memory_space<hbm>>
        %dma_wait3A_239 = tpu.memref_slice %arg2[%add3A_237] : memref<163840xi32, #tpu.memory_space<hbm>> -> memref<128xi32, #tpu.memory_space<hbm>>
        tpu.wait_dma2 semaphore(%arg34 : memref<!tpu.dma_semaphore, #tpu.memory_space<semaphore_mem>>) src(%dma_wait3A_239 : memref<128xi32, #tpu.memory_space<hbm>>) dst(%arg18 : memref<128xi32, #tpu.memory_space<vmem>>)
        %mul3A_240 = arith.constant 10240 : i32
        %mul3A_241 = arith.muli %arg1, %mul3A_240 : i32
        %mul3A_242 = arith.constant 128 : i32
        %mul3A_243 = arith.muli %add3A_232, %mul3A_242 : i32
        %add3A_244 = arith.addi %mul3A_241, %mul3A_243 : i32
        %dma_wait3A_245 = tpu.memref_slice %arg3[%add3A_244] : memref<163840xi32, #tpu.memory_space<hbm>> -> memref<128xi32, #tpu.memory_space<hbm>>
        %dma_wait3A_246 = tpu.memref_slice %arg3[%add3A_244] : memref<163840xi32, #tpu.memory_space<hbm>> -> memref<128xi32, #tpu.memory_space<hbm>>
        tpu.wait_dma2 semaphore(%arg34 : memref<!tpu.dma_semaphore, #tpu.memory_space<semaphore_mem>>) src(%dma_wait3A_246 : memref<128xi32, #tpu.memory_space<hbm>>) dst(%arg19 : memref<128xi32, #tpu.memory_space<vmem>>)
        %mul3A_247 = arith.constant 10240 : i32
        %mul3A_248 = arith.muli %arg1, %mul3A_247 : i32
        %mul3A_249 = arith.constant 128 : i32
        %mul3A_250 = arith.muli %add3A_232, %mul3A_249 : i32
        %add3A_251 = arith.addi %mul3A_248, %mul3A_250 : i32
        %dma_wait3A_252 = tpu.memref_slice %arg4[%add3A_251] : memref<163840xi32, #tpu.memory_space<hbm>> -> memref<128xi32, #tpu.memory_space<hbm>>
        %dma_wait3A_253 = tpu.memref_slice %arg4[%add3A_251] : memref<163840xi32, #tpu.memory_space<hbm>> -> memref<128xi32, #tpu.memory_space<hbm>>
        tpu.wait_dma2 semaphore(%arg34 : memref<!tpu.dma_semaphore, #tpu.memory_space<semaphore_mem>>) src(%dma_wait3A_253 : memref<128xi32, #tpu.memory_space<hbm>>) dst(%arg20 : memref<128xi32, #tpu.memory_space<vmem>>)
        %dma_start3A_254 = arith.constant 0 : i32
        %dma_start3A_255 = tpu.memref_slice %arg8[%dma_start3A_254] : memref<10112xf32, #tpu.memory_space<hbm>> -> memref<10112xf32, #tpu.memory_space<hbm>>
        tpu.enqueue_indirect_dma source(%dma_start3A_255 : memref<10112xf32, #tpu.memory_space<hbm>>) target(%arg28 : memref<128xf32, #tpu.memory_space<vmem>>) offsets(%arg18 : memref<128xi32, #tpu.memory_space<vmem>>) semaphore(%arg36 : memref<!tpu.dma_semaphore, #tpu.memory_space<semaphore_mem>>)
        %dma_start3A_256 = arith.constant 0 : i32
        %dma_start3A_257 = tpu.memref_slice %arg9[%dma_start3A_256] : memref<10112xf32, #tpu.memory_space<hbm>> -> memref<10112xf32, #tpu.memory_space<hbm>>
        tpu.enqueue_indirect_dma source(%dma_start3A_257 : memref<10112xf32, #tpu.memory_space<hbm>>) target(%arg29 : memref<128xf32, #tpu.memory_space<vmem>>) offsets(%arg19 : memref<128xi32, #tpu.memory_space<vmem>>) semaphore(%arg36 : memref<!tpu.dma_semaphore, #tpu.memory_space<semaphore_mem>>)
        %dma_start3A_258 = arith.constant 0 : i32
        %dma_start3A_259 = tpu.memref_slice %arg10[%dma_start3A_258] : memref<10112xf32, #tpu.memory_space<hbm>> -> memref<10112xf32, #tpu.memory_space<hbm>>
        tpu.enqueue_indirect_dma source(%dma_start3A_259 : memref<10112xf32, #tpu.memory_space<hbm>>) target(%arg30 : memref<128xf32, #tpu.memory_space<vmem>>) offsets(%arg20 : memref<128xi32, #tpu.memory_space<vmem>>) semaphore(%arg36 : memref<!tpu.dma_semaphore, #tpu.memory_space<semaphore_mem>>)
        %eq3A_260 = arith.constant 0 : i32
        %eq3A_261 = arith.cmpi eq, %arg0, %eq3A_260 : i32
        %convert_element_type3A_262 = arith.extui %eq3A_261 : i1 to i32
        %cond3A_263 = arith.constant 0 : i32
        %cond3A_264 = arith.cmpi ne, %convert_element_type3A_262, %cond3A_263 : i32
        scf.if %cond3A_264 {
          %dma_start3A_270 = arith.constant 0 : i32
          %dma_start3A_271 = arith.constant 0 : i32
          %dma_start3A_272 = tpu.memref_slice %arg6[%dma_start3A_270, %dma_start3A_271] : memref<10112x128xf32, #tpu.memory_space<hbm>> -> memref<10112x128xf32, #tpu.memory_space<hbm>>
          tpu.enqueue_indirect_dma source(%dma_start3A_272 : memref<10112x128xf32, #tpu.memory_space<hbm>>) target(%arg22 : memref<128x128xf32, #tpu.memory_space<vmem>>) offsets(%arg19 : memref<128xi32, #tpu.memory_space<vmem>>) semaphore(%arg38 : memref<!tpu.dma_semaphore, #tpu.memory_space<semaphore_mem>>)
        } else {
        }
        %eq3A_265 = arith.constant 1 : i32
        %eq3A_266 = arith.cmpi eq, %arg0, %eq3A_265 : i32
        %convert_element_type3A_267 = arith.extui %eq3A_266 : i1 to i32
        %cond3A_268 = arith.constant 0 : i32
        %cond3A_269 = arith.cmpi ne, %convert_element_type3A_267, %cond3A_268 : i32
        scf.if %cond3A_269 {
          %dma_start3A_270 = arith.constant 0 : i32
          %dma_start3A_271 = arith.constant 0 : i32
          %dma_start3A_272 = tpu.memref_slice %arg5[%dma_start3A_270, %dma_start3A_271] : memref<10112x128xf32, #tpu.memory_space<hbm>> -> memref<10112x128xf32, #tpu.memory_space<hbm>>
          tpu.enqueue_indirect_dma source(%dma_start3A_272 : memref<10112x128xf32, #tpu.memory_space<hbm>>) target(%arg22 : memref<128x128xf32, #tpu.memory_space<vmem>>) offsets(%arg18 : memref<128xi32, #tpu.memory_space<vmem>>) semaphore(%arg38 : memref<!tpu.dma_semaphore, #tpu.memory_space<semaphore_mem>>)
        } else {
        }
      } else {
      }
      %scan3A_145 = arith.constant 0 : i32
      %scan3A_146 = arith.constant 0 : i32
      %scan3A_147 = arith.constant 128 : i32
      %scan3A_148 = arith.addi %scan3A_146, %scan3A_147 : i32
      %scan3A_149 = arith.constant 1 : i32
      scf.for %scan3A_231 = %scan3A_146 to %scan3A_148 step %scan3A_149  : i32 {
        %broadcast_in_dim3A_232 = arith.constant 0 : i32
        %broadcast_in_dim3A_233 = vector.broadcast %broadcast_in_dim3A_232 : i32 to vector<16xi32>
        %add3A_234 = vector.broadcast %scan3A_231 : i32 to vector<16xi32>
        %add3A_235 = arith.addi %broadcast_in_dim3A_233, %add3A_234 : vector<16xi32>
        %gather3A = tpu.vector_load_idx %arg24[%add3A_235] : memref<128xf32, #tpu.memory_space<vmem>>[vector<16xi32>], vector<16xf32>,
        %get3A = arith.index_cast %scan3A_231 : i32 to index
        %get3A_236 = arith.constant 0 : index
        %get3A_237 = tpu.vector_load %arg21[%get3A, %get3A_236] {strides = array<i32>} : memref<128x128xf32, #tpu.memory_space<vmem>>, vector<16xf32>,
        %mul3A_238 = arith.mulf %get3A_237, %gather3A : vector<16xf32>
        %swap3A = arith.index_cast %scan3A_231 : i32 to index
        %swap3A_239 = arith.constant 0 : index
        %swap3A_240 = tpu.vector_load %arg21[%swap3A, %swap3A_239] {strides = array<i32>} : memref<128x128xf32, #tpu.memory_space<vmem>>, vector<16xf32>,
        tpu.vector_store %arg21[%swap3A, %swap3A_239], %mul3A_238 {strides = array<i32>} : memref<128x128xf32, #tpu.memory_space<vmem>>, vector<16xf32>,
        %get3A_241 = arith.index_cast %scan3A_231 : i32 to index
        %get3A_242 = arith.constant 16 : index
        %get3A_243 = tpu.vector_load %arg21[%get3A_241, %get3A_242] {strides = array<i32>} : memref<128x128xf32, #tpu.memory_space<vmem>>, vector<16xf32>,
        %mul3A_244 = arith.mulf %get3A_243, %gather3A : vector<16xf32>
        %swap3A_245 = arith.index_cast %scan3A_231 : i32 to index
        %swap3A_246 = arith.constant 16 : index
        %swap3A_247 = tpu.vector_load %arg21[%swap3A_245, %swap3A_246] {strides = array<i32>} : memref<128x128xf32, #tpu.memory_space<vmem>>, vector<16xf32>,
        tpu.vector_store %arg21[%swap3A_245, %swap3A_246], %mul3A_244 {strides = array<i32>} : memref<128x128xf32, #tpu.memory_space<vmem>>, vector<16xf32>,
        %get3A_248 = arith.index_cast %scan3A_231 : i32 to index
        %get3A_249 = arith.constant 32 : index
        %get3A_250 = tpu.vector_load %arg21[%get3A_248, %get3A_249] {strides = array<i32>} : memref<128x128xf32, #tpu.memory_space<vmem>>, vector<16xf32>,
        %mul3A_251 = arith.mulf %get3A_250, %gather3A : vector<16xf32>
        %swap3A_252 = arith.index_cast %scan3A_231 : i32 to index
        %swap3A_253 = arith.constant 32 : index
        %swap3A_254 = tpu.vector_load %arg21[%swap3A_252, %swap3A_253] {strides = array<i32>} : memref<128x128xf32, #tpu.memory_space<vmem>>, vector<16xf32>,
        tpu.vector_store %arg21[%swap3A_252, %swap3A_253], %mul3A_251 {strides = array<i32>} : memref<128x128xf32, #tpu.memory_space<vmem>>, vector<16xf32>,
        %get3A_255 = arith.index_cast %scan3A_231 : i32 to index
        %get3A_256 = arith.constant 48 : index
        %get3A_257 = tpu.vector_load %arg21[%get3A_255, %get3A_256] {strides = array<i32>} : memref<128x128xf32, #tpu.memory_space<vmem>>, vector<16xf32>,
        %mul3A_258 = arith.mulf %get3A_257, %gather3A : vector<16xf32>
        %swap3A_259 = arith.index_cast %scan3A_231 : i32 to index
        %swap3A_260 = arith.constant 48 : index
        %swap3A_261 = tpu.vector_load %arg21[%swap3A_259, %swap3A_260] {strides = array<i32>} : memref<128x128xf32, #tpu.memory_space<vmem>>, vector<16xf32>,
        tpu.vector_store %arg21[%swap3A_259, %swap3A_260], %mul3A_258 {strides = array<i32>} : memref<128x128xf32, #tpu.memory_space<vmem>>, vector<16xf32>,
        %get3A_262 = arith.index_cast %scan3A_231 : i32 to index
        %get3A_263 = arith.constant 64 : index
        %get3A_264 = tpu.vector_load %arg21[%get3A_262, %get3A_263] {strides = array<i32>} : memref<128x128xf32, #tpu.memory_space<vmem>>, vector<16xf32>,
        %mul3A_265 = arith.mulf %get3A_264, %gather3A : vector<16xf32>
        %swap3A_266 = arith.index_cast %scan3A_231 : i32 to index
        %swap3A_267 = arith.constant 64 : index
        %swap3A_268 = tpu.vector_load %arg21[%swap3A_266, %swap3A_267] {strides = array<i32>} : memref<128x128xf32, #tpu.memory_space<vmem>>, vector<16xf32>,
        tpu.vector_store %arg21[%swap3A_266, %swap3A_267], %mul3A_265 {strides = array<i32>} : memref<128x128xf32, #tpu.memory_space<vmem>>, vector<16xf32>,
        %get3A_269 = arith.index_cast %scan3A_231 : i32 to index
        %get3A_270 = arith.constant 80 : index
        %get3A_271 = tpu.vector_load %arg21[%get3A_269, %get3A_270] {strides = array<i32>} : memref<128x128xf32, #tpu.memory_space<vmem>>, vector<16xf32>,
        %mul3A_272 = arith.mulf %get3A_271, %gather3A : vector<16xf32>
        %swap3A_273 = arith.index_cast %scan3A_231 : i32 to index
        %swap3A_274 = arith.constant 80 : index
        %swap3A_275 = tpu.vector_load %arg21[%swap3A_273, %swap3A_274] {strides = array<i32>} : memref<128x128xf32, #tpu.memory_space<vmem>>, vector<16xf32>,
        tpu.vector_store %arg21[%swap3A_273, %swap3A_274], %mul3A_272 {strides = array<i32>} : memref<128x128xf32, #tpu.memory_space<vmem>>, vector<16xf32>,
        %get3A_276 = arith.index_cast %scan3A_231 : i32 to index
        %get3A_277 = arith.constant 96 : index
        %get3A_278 = tpu.vector_load %arg21[%get3A_276, %get3A_277] {strides = array<i32>} : memref<128x128xf32, #tpu.memory_space<vmem>>, vector<16xf32>,
        %mul3A_279 = arith.mulf %get3A_278, %gather3A : vector<16xf32>
        %swap3A_280 = arith.index_cast %scan3A_231 : i32 to index
        %swap3A_281 = arith.constant 96 : index
        %swap3A_282 = tpu.vector_load %arg21[%swap3A_280, %swap3A_281] {strides = array<i32>} : memref<128x128xf32, #tpu.memory_space<vmem>>, vector<16xf32>,
        tpu.vector_store %arg21[%swap3A_280, %swap3A_281], %mul3A_279 {strides = array<i32>} : memref<128x128xf32, #tpu.memory_space<vmem>>, vector<16xf32>,
        %get3A_283 = arith.index_cast %scan3A_231 : i32 to index
        %get3A_284 = arith.constant 112 : index
        %get3A_285 = tpu.vector_load %arg21[%get3A_283, %get3A_284] {strides = array<i32>} : memref<128x128xf32, #tpu.memory_space<vmem>>, vector<16xf32>,
        %mul3A_286 = arith.mulf %get3A_285, %gather3A : vector<16xf32>
        %swap3A_287 = arith.index_cast %scan3A_231 : i32 to index
        %swap3A_288 = arith.constant 112 : index
        %swap3A_289 = tpu.vector_load %arg21[%swap3A_287, %swap3A_288] {strides = array<i32>} : memref<128x128xf32, #tpu.memory_space<vmem>>, vector<16xf32>,
        tpu.vector_store %arg21[%swap3A_287, %swap3A_288], %mul3A_286 {strides = array<i32>} : memref<128x128xf32, #tpu.memory_space<vmem>>, vector<16xf32>,
        %eq3A_290 = arith.constant 0 : i32
        %eq3A_291 = vector.broadcast %eq3A_290 : i32 to vector<16xi32>
        %eq3A_292 = arith.cmpi eq, %iota3A, %eq3A_291 : vector<16xi32>
        %eq3A_293 = arith.constant 1 : i32
        %eq3A_294 = vector.broadcast %eq3A_293 : i32 to vector<16xi32>
        %eq3A_295 = arith.cmpi eq, %iota3A, %eq3A_294 : vector<16xi32>
        %broadcast_in_dim3A_296 = arith.constant 1.000000e+00 : f32
        %broadcast_in_dim3A_297 = vector.broadcast %broadcast_in_dim3A_296 : f32 to vector<16xf32>
        %select_n3A = arith.select %eq3A_295, %broadcast_in_dim3A_297, %broadcast_in_dim3A_0 : vector<16xi1>, vector<16xf32>
        %select_n3A_298 = arith.select %eq3A_292, %gather3A, %select_n3A : vector<16xi1>, vector<16xf32>
        %swap3A_299 = arith.index_cast %scan3A_231 : i32 to index
        %swap3A_300 = arith.constant 0 : index
        %swap3A_301 = tpu.vector_load %arg23[%swap3A_299, %swap3A_300] {strides = array<i32>} : memref<128x16xf32, #tpu.memory_space<vmem>>, vector<16xf32>,
        tpu.vector_store %arg23[%swap3A_299, %swap3A_300], %select_n3A_298 {strides = array<i32>} : memref<128x16xf32, #tpu.memory_space<vmem>>, vector<16xf32>,
      }
      %scan3A_150 = arith.constant 128 : i32
      %add3A_151 = arith.constant 1 : i32
      %add3A_152 = arith.addi %mul3A_123, %add3A_151 : i32
      %lt3A_153 = arith.constant 80 : i32
      %lt3A_154 = arith.cmpi slt, %add3A_152, %lt3A_153 : i32
      %convert_element_type3A_155 = arith.extui %lt3A_154 : i1 to i32
      %cond3A_156 = arith.constant 0 : i32
      %cond3A_157 = arith.cmpi ne, %convert_element_type3A_155, %cond3A_156 : i32
      scf.if %cond3A_157 {
        %dma_wait3A_231 = arith.constant 0 : i32
        %dma_wait3A_232 = arith.constant 0 : i32
        %dma_wait3A_233 = tpu.memref_slice %arg6[%dma_wait3A_231, %dma_wait3A_232] : memref<10112x128xf32, #tpu.memory_space<hbm>> -> memref<10112x128xf32, #tpu.memory_space<hbm>>
        tpu.wait_indirect_dma semaphore(%arg38 : memref<!tpu.dma_semaphore, #tpu.memory_space<semaphore_mem>>) src(%dma_wait3A_233 : memref<10112x128xf32, #tpu.memory_space<hbm>>) dst(%arg22 : memref<128x128xf32, #tpu.memory_space<vmem>>)
        %eq3A_234 = arith.constant 0 : i32
        %eq3A_235 = arith.cmpi eq, %arg0, %eq3A_234 : i32
        %convert_element_type3A_236 = arith.extui %eq3A_235 : i1 to i32
        %cond3A_237 = arith.constant 0 : i32
        %cond3A_238 = arith.cmpi ne, %convert_element_type3A_236, %cond3A_237 : i32
        scf.if %cond3A_238 {
          %dma_start3A_244 = arith.constant 0 : i32
          %dma_start3A_245 = arith.constant 0 : i32
          %dma_start3A_246 = tpu.memref_slice %arg7[%dma_start3A_244, %dma_start3A_245] : memref<10112x128xf32, #tpu.memory_space<hbm>> -> memref<10112x128xf32, #tpu.memory_space<hbm>>
          tpu.enqueue_indirect_dma source(%dma_start3A_246 : memref<10112x128xf32, #tpu.memory_space<hbm>>) target(%arg22 : memref<128x128xf32, #tpu.memory_space<vmem>>) offsets(%arg20 : memref<128xi32, #tpu.memory_space<vmem>>) semaphore(%arg38 : memref<!tpu.dma_semaphore, #tpu.memory_space<semaphore_mem>>) {add = true}
        } else {
        }
        %eq3A_239 = arith.constant 1 : i32
        %eq3A_240 = arith.cmpi eq, %arg0, %eq3A_239 : i32
        %convert_element_type3A_241 = arith.extui %eq3A_240 : i1 to i32
        %cond3A_242 = arith.constant 0 : i32
        %cond3A_243 = arith.cmpi ne, %convert_element_type3A_241, %cond3A_242 : i32
        scf.if %cond3A_243 {
          %dma_start3A_244 = arith.constant 0 : i32
          %dma_start3A_245 = arith.constant 0 : i32
          %dma_start3A_246 = tpu.memref_slice %arg6[%dma_start3A_244, %dma_start3A_245] : memref<10112x128xf32, #tpu.memory_space<hbm>> -> memref<10112x128xf32, #tpu.memory_space<hbm>>
          tpu.enqueue_indirect_dma source(%dma_start3A_246 : memref<10112x128xf32, #tpu.memory_space<hbm>>) target(%arg22 : memref<128x128xf32, #tpu.memory_space<vmem>>) offsets(%arg19 : memref<128xi32, #tpu.memory_space<vmem>>) semaphore(%arg38 : memref<!tpu.dma_semaphore, #tpu.memory_space<semaphore_mem>>) {add = true}
        } else {
        }
      } else {
      }
      %eq3A_158 = arith.constant 0 : i32
      %eq3A_159 = arith.cmpi eq, %arg0, %eq3A_158 : i32
      %convert_element_type3A_160 = arith.extui %eq3A_159 : i1 to i32
      %cond3A_161 = arith.constant 0 : i32
      %cond3A_162 = arith.cmpi ne, %convert_element_type3A_160, %cond3A_161 : i32
      scf.if %cond3A_162 {
        "tpu.region"() ({
          %run_scoped3A = tpu.sem_alloc : memref<!tpu.dma_semaphore, #tpu.memory_space<semaphore_mem>>
          %dma_start3A_231 = arith.constant 0 : i32
          %dma_start3A_232 = arith.constant 0 : i32
          %dma_start3A_233 = tpu.memref_slice %arg31[%dma_start3A_231, %dma_start3A_232] : memref<10112x128xf32, #tpu.memory_space<vmem_shared>> -> memref<10112x128xf32, #tpu.memory_space<vmem_shared>>
          tpu.enqueue_indirect_dma source(%arg21 : memref<128x128xf32, #tpu.memory_space<vmem>>) target(%dma_start3A_233 : memref<10112x128xf32, #tpu.memory_space<vmem_shared>>) offsets(%arg15 : memref<128xi32, #tpu.memory_space<vmem>>) semaphore(%run_scoped3A : memref<!tpu.dma_semaphore, #tpu.memory_space<semaphore_mem>>) {add = true}
          %dma_wait3A_234 = arith.constant 0 : i32
          %dma_wait3A_235 = arith.constant 0 : i32
          %dma_wait3A_236 = tpu.memref_slice %arg31[%dma_wait3A_234, %dma_wait3A_235] : memref<10112x128xf32, #tpu.memory_space<vmem_shared>> -> memref<10112x128xf32, #tpu.memory_space<vmem_shared>>
          tpu.wait_indirect_dma semaphore(%run_scoped3A : memref<!tpu.dma_semaphore, #tpu.memory_space<semaphore_mem>>) src(%arg21 : memref<128x128xf32, #tpu.memory_space<vmem>>) dst(%dma_wait3A_236 : memref<10112x128xf32, #tpu.memory_space<vmem_shared>>)
          tpu.yield
        }) : () -> ()
        "tpu.region"() ({
          %run_scoped3A = tpu.sem_alloc : memref<!tpu.dma_semaphore, #tpu.memory_space<semaphore_mem>>
          %dma_start3A_231 = arith.constant 0 : i32
          %dma_start3A_232 = arith.constant 0 : i32
          %dma_start3A_233 = tpu.memref_slice %arg32[%dma_start3A_231, %dma_start3A_232] : memref<10112x16xf32, #tpu.memory_space<vmem_shared>> -> memref<10112x16xf32, #tpu.memory_space<vmem_shared>>
          tpu.enqueue_indirect_dma source(%arg23 : memref<128x16xf32, #tpu.memory_space<vmem>>) target(%dma_start3A_233 : memref<10112x16xf32, #tpu.memory_space<vmem_shared>>) offsets(%arg15 : memref<128xi32, #tpu.memory_space<vmem>>) semaphore(%run_scoped3A : memref<!tpu.dma_semaphore, #tpu.memory_space<semaphore_mem>>) {add = true}
          %dma_wait3A_234 = arith.constant 0 : i32
          %dma_wait3A_235 = arith.constant 0 : i32
          %dma_wait3A_236 = tpu.memref_slice %arg32[%dma_wait3A_234, %dma_wait3A_235] : memref<10112x16xf32, #tpu.memory_space<vmem_shared>> -> memref<10112x16xf32, #tpu.memory_space<vmem_shared>>
          tpu.wait_indirect_dma semaphore(%run_scoped3A : memref<!tpu.dma_semaphore, #tpu.memory_space<semaphore_mem>>) src(%arg23 : memref<128x16xf32, #tpu.memory_space<vmem>>) dst(%dma_wait3A_236 : memref<10112x16xf32, #tpu.memory_space<vmem_shared>>)
          tpu.yield
        }) : () -> ()
      } else {
      }
      %eq3A_163 = arith.constant 1 : i32
      %eq3A_164 = arith.cmpi eq, %arg0, %eq3A_163 : i32
      %convert_element_type3A_165 = arith.extui %eq3A_164 : i1 to i32
      %cond3A_166 = arith.constant 0 : i32
      %cond3A_167 = arith.cmpi ne, %convert_element_type3A_165, %cond3A_166 : i32
      scf.if %cond3A_167 {
        "tpu.region"() ({
          %run_scoped3A = tpu.sem_alloc : memref<!tpu.dma_semaphore, #tpu.memory_space<semaphore_mem>>
          %dma_start3A_231 = arith.constant 0 : i32
          %dma_start3A_232 = arith.constant 0 : i32
          %dma_start3A_233 = tpu.memref_slice %arg31[%dma_start3A_231, %dma_start3A_232] : memref<10112x128xf32, #tpu.memory_space<vmem_shared>> -> memref<10112x128xf32, #tpu.memory_space<vmem_shared>>
          tpu.enqueue_indirect_dma source(%arg21 : memref<128x128xf32, #tpu.memory_space<vmem>>) target(%dma_start3A_233 : memref<10112x128xf32, #tpu.memory_space<vmem_shared>>) offsets(%arg17 : memref<128xi32, #tpu.memory_space<vmem>>) semaphore(%run_scoped3A : memref<!tpu.dma_semaphore, #tpu.memory_space<semaphore_mem>>) {add = true}
          %dma_wait3A_234 = arith.constant 0 : i32
          %dma_wait3A_235 = arith.constant 0 : i32
          %dma_wait3A_236 = tpu.memref_slice %arg31[%dma_wait3A_234, %dma_wait3A_235] : memref<10112x128xf32, #tpu.memory_space<vmem_shared>> -> memref<10112x128xf32, #tpu.memory_space<vmem_shared>>
          tpu.wait_indirect_dma semaphore(%run_scoped3A : memref<!tpu.dma_semaphore, #tpu.memory_space<semaphore_mem>>) src(%arg21 : memref<128x128xf32, #tpu.memory_space<vmem>>) dst(%dma_wait3A_236 : memref<10112x128xf32, #tpu.memory_space<vmem_shared>>)
          tpu.yield
        }) : () -> ()
        "tpu.region"() ({
          %run_scoped3A = tpu.sem_alloc : memref<!tpu.dma_semaphore, #tpu.memory_space<semaphore_mem>>
          %dma_start3A_231 = arith.constant 0 : i32
          %dma_start3A_232 = arith.constant 0 : i32
          %dma_start3A_233 = tpu.memref_slice %arg32[%dma_start3A_231, %dma_start3A_232] : memref<10112x16xf32, #tpu.memory_space<vmem_shared>> -> memref<10112x16xf32, #tpu.memory_space<vmem_shared>>
          tpu.enqueue_indirect_dma source(%arg23 : memref<128x16xf32, #tpu.memory_space<vmem>>) target(%dma_start3A_233 : memref<10112x16xf32, #tpu.memory_space<vmem_shared>>) offsets(%arg17 : memref<128xi32, #tpu.memory_space<vmem>>) semaphore(%run_scoped3A : memref<!tpu.dma_semaphore, #tpu.memory_space<semaphore_mem>>) {add = true}
          %dma_wait3A_234 = arith.constant 0 : i32
          %dma_wait3A_235 = arith.constant 0 : i32
          %dma_wait3A_236 = tpu.memref_slice %arg32[%dma_wait3A_234, %dma_wait3A_235] : memref<10112x16xf32, #tpu.memory_space<vmem_shared>> -> memref<10112x16xf32, #tpu.memory_space<vmem_shared>>
          tpu.wait_indirect_dma semaphore(%run_scoped3A : memref<!tpu.dma_semaphore, #tpu.memory_space<semaphore_mem>>) src(%arg23 : memref<128x16xf32, #tpu.memory_space<vmem>>) dst(%dma_wait3A_236 : memref<10112x16xf32, #tpu.memory_space<vmem_shared>>)
          tpu.yield
        }) : () -> ()
      } else {
      }
      %add3A_168 = arith.constant 2 : i32
      %add3A_169 = arith.addi %mul3A_123, %add3A_168 : i32
      %lt3A_170 = arith.constant 80 : i32
      %lt3A_171 = arith.cmpi slt, %add3A_169, %lt3A_170 : i32
      %convert_element_type3A_172 = arith.extui %lt3A_171 : i1 to i32
      %cond3A_173 = arith.constant 0 : i32
      %cond3A_174 = arith.cmpi ne, %convert_element_type3A_172, %cond3A_173 : i32
      scf.if %cond3A_174 {
        %add3A_231 = arith.constant 2 : i32
        %add3A_232 = arith.addi %mul3A_123, %add3A_231 : i32
        %mul3A_233 = arith.constant 10240 : i32
        %mul3A_234 = arith.muli %arg1, %mul3A_233 : i32
        %mul3A_235 = arith.constant 128 : i32
        %mul3A_236 = arith.muli %add3A_232, %mul3A_235 : i32
        %add3A_237 = arith.addi %mul3A_234, %mul3A_236 : i32
        %dma_start3A_238 = tpu.memref_slice %arg2[%add3A_237] : memref<163840xi32, #tpu.memory_space<hbm>> -> memref<128xi32, #tpu.memory_space<hbm>>
        %dma_start3A_239 = tpu.memref_slice %arg2[%add3A_237] : memref<163840xi32, #tpu.memory_space<hbm>> -> memref<128xi32, #tpu.memory_space<hbm>>
        tpu.enqueue_dma source(%dma_start3A_239 : memref<128xi32, #tpu.memory_space<hbm>>) target(%arg15 : memref<128xi32, #tpu.memory_space<vmem>>) target_semaphore(%arg33 : memref<!tpu.dma_semaphore, #tpu.memory_space<semaphore_mem>>)
        %mul3A_240 = arith.constant 10240 : i32
        %mul3A_241 = arith.muli %arg1, %mul3A_240 : i32
        %mul3A_242 = arith.constant 128 : i32
        %mul3A_243 = arith.muli %add3A_232, %mul3A_242 : i32
        %add3A_244 = arith.addi %mul3A_241, %mul3A_243 : i32
        %dma_start3A_245 = tpu.memref_slice %arg3[%add3A_244] : memref<163840xi32, #tpu.memory_space<hbm>> -> memref<128xi32, #tpu.memory_space<hbm>>
        %dma_start3A_246 = tpu.memref_slice %arg3[%add3A_244] : memref<163840xi32, #tpu.memory_space<hbm>> -> memref<128xi32, #tpu.memory_space<hbm>>
        tpu.enqueue_dma source(%dma_start3A_246 : memref<128xi32, #tpu.memory_space<hbm>>) target(%arg16 : memref<128xi32, #tpu.memory_space<vmem>>) target_semaphore(%arg33 : memref<!tpu.dma_semaphore, #tpu.memory_space<semaphore_mem>>)
        %mul3A_247 = arith.constant 10240 : i32
        %mul3A_248 = arith.muli %arg1, %mul3A_247 : i32
        %mul3A_249 = arith.constant 128 : i32
        %mul3A_250 = arith.muli %add3A_232, %mul3A_249 : i32
        %add3A_251 = arith.addi %mul3A_248, %mul3A_250 : i32
        %dma_start3A_252 = tpu.memref_slice %arg4[%add3A_251] : memref<163840xi32, #tpu.memory_space<hbm>> -> memref<128xi32, #tpu.memory_space<hbm>>
        %dma_start3A_253 = tpu.memref_slice %arg4[%add3A_251] : memref<163840xi32, #tpu.memory_space<hbm>> -> memref<128xi32, #tpu.memory_space<hbm>>
        tpu.enqueue_dma source(%dma_start3A_253 : memref<128xi32, #tpu.memory_space<hbm>>) target(%arg17 : memref<128xi32, #tpu.memory_space<vmem>>) target_semaphore(%arg33 : memref<!tpu.dma_semaphore, #tpu.memory_space<semaphore_mem>>)
      } else {
      }
      %mul3A_175 = arith.constant 2 : i32
      %mul3A_176 = arith.muli %mul3A_175, %scan3A_121 : i32
      %add3A_177 = arith.constant 1 : i32
      %add3A_178 = arith.addi %mul3A_176, %add3A_177 : i32
      %dma_wait3A_179 = arith.constant 0 : i32
      %dma_wait3A_180 = arith.constant 0 : i32
      %dma_wait3A_181 = tpu.memref_slice %arg6[%dma_wait3A_179, %dma_wait3A_180] : memref<10112x128xf32, #tpu.memory_space<hbm>> -> memref<10112x128xf32, #tpu.memory_space<hbm>>
      tpu.wait_indirect_dma semaphore(%arg38 : memref<!tpu.dma_semaphore, #tpu.memory_space<semaphore_mem>>) src(%dma_wait3A_181 : memref<10112x128xf32, #tpu.memory_space<hbm>>) dst(%arg22 : memref<128x128xf32, #tpu.memory_space<vmem>>)
      %dma_wait3A_182 = arith.constant 0 : i32
      %dma_wait3A_183 = tpu.memref_slice %arg8[%dma_wait3A_182] : memref<10112xf32, #tpu.memory_space<hbm>> -> memref<10112xf32, #tpu.memory_space<hbm>>
      tpu.wait_indirect_dma semaphore(%arg36 : memref<!tpu.dma_semaphore, #tpu.memory_space<semaphore_mem>>) src(%dma_wait3A_183 : memref<10112xf32, #tpu.memory_space<hbm>>) dst(%arg28 : memref<128xf32, #tpu.memory_space<vmem>>)
      %dma_wait3A_184 = arith.constant 0 : i32
      %dma_wait3A_185 = tpu.memref_slice %arg9[%dma_wait3A_184] : memref<10112xf32, #tpu.memory_space<hbm>> -> memref<10112xf32, #tpu.memory_space<hbm>>
      tpu.wait_indirect_dma semaphore(%arg36 : memref<!tpu.dma_semaphore, #tpu.memory_space<semaphore_mem>>) src(%dma_wait3A_185 : memref<10112xf32, #tpu.memory_space<hbm>>) dst(%arg29 : memref<128xf32, #tpu.memory_space<vmem>>)
      %dma_wait3A_186 = arith.constant 0 : i32
      %dma_wait3A_187 = tpu.memref_slice %arg10[%dma_wait3A_186] : memref<10112xf32, #tpu.memory_space<hbm>> -> memref<10112xf32, #tpu.memory_space<hbm>>
      tpu.wait_indirect_dma semaphore(%arg36 : memref<!tpu.dma_semaphore, #tpu.memory_space<semaphore_mem>>) src(%dma_wait3A_187 : memref<10112xf32, #tpu.memory_space<hbm>>) dst(%arg30 : memref<128xf32, #tpu.memory_space<vmem>>)
      %scan3A_188 = arith.constant 0 : i32
      %scan3A_189 = arith.constant 0 : i32
      %scan3A_190 = arith.constant 8 : i32
      %scan3A_191 = arith.addi %scan3A_189, %scan3A_190 : i32
      %scan3A_192 = arith.constant 1 : i32
      scf.for %scan3A_231 = %scan3A_189 to %scan3A_191 step %scan3A_192  : i32 {
        %mul3A_232 = arith.constant 16 : i32
        %mul3A_233 = arith.muli %scan3A_231, %mul3A_232 : i32
        %get3A = arith.index_cast %mul3A_233 : i32 to index
        %get3A_234 = tpu.vector_load %arg28[%get3A] {strides = array<i32>} : memref<128xf32, #tpu.memory_space<vmem>>, vector<16xf32>,
        %mul3A_235 = arith.constant 16 : i32
        %mul3A_236 = arith.muli %scan3A_231, %mul3A_235 : i32
        %get3A_237 = arith.index_cast %mul3A_236 : i32 to index
        %get3A_238 = tpu.vector_load %arg29[%get3A_237] {strides = array<i32>} : memref<128xf32, #tpu.memory_space<vmem>>, vector<16xf32>,
        %add3A_239 = arith.addf %get3A_234, %get3A_238 : vector<16xf32>
        %mul3A_240 = arith.constant 16 : i32
        %mul3A_241 = arith.muli %scan3A_231, %mul3A_240 : i32
        %get3A_242 = arith.index_cast %mul3A_241 : i32 to index
        %get3A_243 = tpu.vector_load %arg30[%get3A_242] {strides = array<i32>} : memref<128xf32, #tpu.memory_space<vmem>>, vector<16xf32>,
        %add3A_244 = arith.addf %add3A_239, %get3A_243 : vector<16xf32>
        %mul3A_245 = arith.constant 0.00999999977 : f32
        %mul3A_246 = vector.broadcast %mul3A_245 : f32 to vector<16xf32>
        %mul3A_247 = arith.mulf %add3A_244, %mul3A_246 : vector<16xf32>
        %max3A = arith.maximumf %add3A_244, %mul3A_247 : vector<16xf32>
        %exp3A = math.exp %max3A : vector<16xf32>
        %mul3A_248 = arith.constant 16 : i32
        %mul3A_249 = arith.muli %scan3A_231, %mul3A_248 : i32
        %swap3A = arith.index_cast %mul3A_249 : i32 to index
        %swap3A_250 = tpu.vector_load %arg24[%swap3A] {strides = array<i32>} : memref<128xf32, #tpu.memory_space<vmem>>, vector<16xf32>,
        tpu.vector_store %arg24[%swap3A], %exp3A {strides = array<i32>} : memref<128xf32, #tpu.memory_space<vmem>>, vector<16xf32>,
      }
      %scan3A_193 = arith.constant 8 : i32
      %add3A_194 = arith.constant 1 : i32
      %add3A_195 = arith.addi %add3A_178, %add3A_194 : i32
      %lt3A_196 = arith.constant 80 : i32
      %lt3A_197 = arith.cmpi slt, %add3A_195, %lt3A_196 : i32
      %convert_element_type3A_198 = arith.extui %lt3A_197 : i1 to i32
      %cond3A_199 = arith.constant 0 : i32
      %cond3A_200 = arith.cmpi ne, %convert_element_type3A_198, %cond3A_199 : i32
      scf.if %cond3A_200 {
        %add3A_231 = arith.constant 1 : i32
        %add3A_232 = arith.addi %add3A_178, %add3A_231 : i32
        %mul3A_233 = arith.constant 10240 : i32
        %mul3A_234 = arith.muli %arg1, %mul3A_233 : i32
        %mul3A_235 = arith.constant 128 : i32
        %mul3A_236 = arith.muli %add3A_232, %mul3A_235 : i32
        %add3A_237 = arith.addi %mul3A_234, %mul3A_236 : i32
        %dma_wait3A_238 = tpu.memref_slice %arg2[%add3A_237] : memref<163840xi32, #tpu.memory_space<hbm>> -> memref<128xi32, #tpu.memory_space<hbm>>
        %dma_wait3A_239 = tpu.memref_slice %arg2[%add3A_237] : memref<163840xi32, #tpu.memory_space<hbm>> -> memref<128xi32, #tpu.memory_space<hbm>>
        tpu.wait_dma2 semaphore(%arg33 : memref<!tpu.dma_semaphore, #tpu.memory_space<semaphore_mem>>) src(%dma_wait3A_239 : memref<128xi32, #tpu.memory_space<hbm>>) dst(%arg15 : memref<128xi32, #tpu.memory_space<vmem>>)
        %mul3A_240 = arith.constant 10240 : i32
        %mul3A_241 = arith.muli %arg1, %mul3A_240 : i32
        %mul3A_242 = arith.constant 128 : i32
        %mul3A_243 = arith.muli %add3A_232, %mul3A_242 : i32
        %add3A_244 = arith.addi %mul3A_241, %mul3A_243 : i32
        %dma_wait3A_245 = tpu.memref_slice %arg3[%add3A_244] : memref<163840xi32, #tpu.memory_space<hbm>> -> memref<128xi32, #tpu.memory_space<hbm>>
        %dma_wait3A_246 = tpu.memref_slice %arg3[%add3A_244] : memref<163840xi32, #tpu.memory_space<hbm>> -> memref<128xi32, #tpu.memory_space<hbm>>
        tpu.wait_dma2 semaphore(%arg33 : memref<!tpu.dma_semaphore, #tpu.memory_space<semaphore_mem>>) src(%dma_wait3A_246 : memref<128xi32, #tpu.memory_space<hbm>>) dst(%arg16 : memref<128xi32, #tpu.memory_space<vmem>>)
        %mul3A_247 = arith.constant 10240 : i32
        %mul3A_248 = arith.muli %arg1, %mul3A_247 : i32
        %mul3A_249 = arith.constant 128 : i32
        %mul3A_250 = arith.muli %add3A_232, %mul3A_249 : i32
        %add3A_251 = arith.addi %mul3A_248, %mul3A_250 : i32
        %dma_wait3A_252 = tpu.memref_slice %arg4[%add3A_251] : memref<163840xi32, #tpu.memory_space<hbm>> -> memref<128xi32, #tpu.memory_space<hbm>>
        %dma_wait3A_253 = tpu.memref_slice %arg4[%add3A_251] : memref<163840xi32, #tpu.memory_space<hbm>> -> memref<128xi32, #tpu.memory_space<hbm>>
        tpu.wait_dma2 semaphore(%arg33 : memref<!tpu.dma_semaphore, #tpu.memory_space<semaphore_mem>>) src(%dma_wait3A_253 : memref<128xi32, #tpu.memory_space<hbm>>) dst(%arg17 : memref<128xi32, #tpu.memory_space<vmem>>)
        %dma_start3A_254 = arith.constant 0 : i32
        %dma_start3A_255 = tpu.memref_slice %arg8[%dma_start3A_254] : memref<10112xf32, #tpu.memory_space<hbm>> -> memref<10112xf32, #tpu.memory_space<hbm>>
        tpu.enqueue_indirect_dma source(%dma_start3A_255 : memref<10112xf32, #tpu.memory_space<hbm>>) target(%arg25 : memref<128xf32, #tpu.memory_space<vmem>>) offsets(%arg15 : memref<128xi32, #tpu.memory_space<vmem>>) semaphore(%arg35 : memref<!tpu.dma_semaphore, #tpu.memory_space<semaphore_mem>>)
        %dma_start3A_256 = arith.constant 0 : i32
        %dma_start3A_257 = tpu.memref_slice %arg9[%dma_start3A_256] : memref<10112xf32, #tpu.memory_space<hbm>> -> memref<10112xf32, #tpu.memory_space<hbm>>
        tpu.enqueue_indirect_dma source(%dma_start3A_257 : memref<10112xf32, #tpu.memory_space<hbm>>) target(%arg26 : memref<128xf32, #tpu.memory_space<vmem>>) offsets(%arg16 : memref<128xi32, #tpu.memory_space<vmem>>) semaphore(%arg35 : memref<!tpu.dma_semaphore, #tpu.memory_space<semaphore_mem>>)
        %dma_start3A_258 = arith.constant 0 : i32
        %dma_start3A_259 = tpu.memref_slice %arg10[%dma_start3A_258] : memref<10112xf32, #tpu.memory_space<hbm>> -> memref<10112xf32, #tpu.memory_space<hbm>>
        tpu.enqueue_indirect_dma source(%dma_start3A_259 : memref<10112xf32, #tpu.memory_space<hbm>>) target(%arg27 : memref<128xf32, #tpu.memory_space<vmem>>) offsets(%arg17 : memref<128xi32, #tpu.memory_space<vmem>>) semaphore(%arg35 : memref<!tpu.dma_semaphore, #tpu.memory_space<semaphore_mem>>)
        %eq3A_260 = arith.constant 0 : i32
        %eq3A_261 = arith.cmpi eq, %arg0, %eq3A_260 : i32
        %convert_element_type3A_262 = arith.extui %eq3A_261 : i1 to i32
        %cond3A_263 = arith.constant 0 : i32
        %cond3A_264 = arith.cmpi ne, %convert_element_type3A_262, %cond3A_263 : i32
        scf.if %cond3A_264 {
          %dma_start3A_270 = arith.constant 0 : i32
          %dma_start3A_271 = arith.constant 0 : i32
          %dma_start3A_272 = tpu.memref_slice %arg6[%dma_start3A_270, %dma_start3A_271] : memref<10112x128xf32, #tpu.memory_space<hbm>> -> memref<10112x128xf32, #tpu.memory_space<hbm>>
          tpu.enqueue_indirect_dma source(%dma_start3A_272 : memref<10112x128xf32, #tpu.memory_space<hbm>>) target(%arg21 : memref<128x128xf32, #tpu.memory_space<vmem>>) offsets(%arg16 : memref<128xi32, #tpu.memory_space<vmem>>) semaphore(%arg37 : memref<!tpu.dma_semaphore, #tpu.memory_space<semaphore_mem>>)
        } else {
        }
        %eq3A_265 = arith.constant 1 : i32
        %eq3A_266 = arith.cmpi eq, %arg0, %eq3A_265 : i32
        %convert_element_type3A_267 = arith.extui %eq3A_266 : i1 to i32
        %cond3A_268 = arith.constant 0 : i32
        %cond3A_269 = arith.cmpi ne, %convert_element_type3A_267, %cond3A_268 : i32
        scf.if %cond3A_269 {
          %dma_start3A_270 = arith.constant 0 : i32
          %dma_start3A_271 = arith.constant 0 : i32
          %dma_start3A_272 = tpu.memref_slice %arg5[%dma_start3A_270, %dma_start3A_271] : memref<10112x128xf32, #tpu.memory_space<hbm>> -> memref<10112x128xf32, #tpu.memory_space<hbm>>
          tpu.enqueue_indirect_dma source(%dma_start3A_272 : memref<10112x128xf32, #tpu.memory_space<hbm>>) target(%arg21 : memref<128x128xf32, #tpu.memory_space<vmem>>) offsets(%arg15 : memref<128xi32, #tpu.memory_space<vmem>>) semaphore(%arg37 : memref<!tpu.dma_semaphore, #tpu.memory_space<semaphore_mem>>)
        } else {
        }
      } else {
      }
      %scan3A_201 = arith.constant 0 : i32
      %scan3A_202 = arith.constant 0 : i32
      %scan3A_203 = arith.constant 128 : i32
      %scan3A_204 = arith.addi %scan3A_202, %scan3A_203 : i32
      %scan3A_205 = arith.constant 1 : i32
      scf.for %scan3A_231 = %scan3A_202 to %scan3A_204 step %scan3A_205  : i32 {
        %broadcast_in_dim3A_232 = arith.constant 0 : i32
        %broadcast_in_dim3A_233 = vector.broadcast %broadcast_in_dim3A_232 : i32 to vector<16xi32>
        %add3A_234 = vector.broadcast %scan3A_231 : i32 to vector<16xi32>
        %add3A_235 = arith.addi %broadcast_in_dim3A_233, %add3A_234 : vector<16xi32>
        %gather3A = tpu.vector_load_idx %arg24[%add3A_235] : memref<128xf32, #tpu.memory_space<vmem>>[vector<16xi32>], vector<16xf32>,
        %get3A = arith.index_cast %scan3A_231 : i32 to index
        %get3A_236 = arith.constant 0 : index
        %get3A_237 = tpu.vector_load %arg22[%get3A, %get3A_236] {strides = array<i32>} : memref<128x128xf32, #tpu.memory_space<vmem>>, vector<16xf32>,
        %mul3A_238 = arith.mulf %get3A_237, %gather3A : vector<16xf32>
        %swap3A = arith.index_cast %scan3A_231 : i32 to index
        %swap3A_239 = arith.constant 0 : index
        %swap3A_240 = tpu.vector_load %arg22[%swap3A, %swap3A_239] {strides = array<i32>} : memref<128x128xf32, #tpu.memory_space<vmem>>, vector<16xf32>,
        tpu.vector_store %arg22[%swap3A, %swap3A_239], %mul3A_238 {strides = array<i32>} : memref<128x128xf32, #tpu.memory_space<vmem>>, vector<16xf32>,
        %get3A_241 = arith.index_cast %scan3A_231 : i32 to index
        %get3A_242 = arith.constant 16 : index
        %get3A_243 = tpu.vector_load %arg22[%get3A_241, %get3A_242] {strides = array<i32>} : memref<128x128xf32, #tpu.memory_space<vmem>>, vector<16xf32>,
        %mul3A_244 = arith.mulf %get3A_243, %gather3A : vector<16xf32>
        %swap3A_245 = arith.index_cast %scan3A_231 : i32 to index
        %swap3A_246 = arith.constant 16 : index
        %swap3A_247 = tpu.vector_load %arg22[%swap3A_245, %swap3A_246] {strides = array<i32>} : memref<128x128xf32, #tpu.memory_space<vmem>>, vector<16xf32>,
        tpu.vector_store %arg22[%swap3A_245, %swap3A_246], %mul3A_244 {strides = array<i32>} : memref<128x128xf32, #tpu.memory_space<vmem>>, vector<16xf32>,
        %get3A_248 = arith.index_cast %scan3A_231 : i32 to index
        %get3A_249 = arith.constant 32 : index
        %get3A_250 = tpu.vector_load %arg22[%get3A_248, %get3A_249] {strides = array<i32>} : memref<128x128xf32, #tpu.memory_space<vmem>>, vector<16xf32>,
        %mul3A_251 = arith.mulf %get3A_250, %gather3A : vector<16xf32>
        %swap3A_252 = arith.index_cast %scan3A_231 : i32 to index
        %swap3A_253 = arith.constant 32 : index
        %swap3A_254 = tpu.vector_load %arg22[%swap3A_252, %swap3A_253] {strides = array<i32>} : memref<128x128xf32, #tpu.memory_space<vmem>>, vector<16xf32>,
        tpu.vector_store %arg22[%swap3A_252, %swap3A_253], %mul3A_251 {strides = array<i32>} : memref<128x128xf32, #tpu.memory_space<vmem>>, vector<16xf32>,
        %get3A_255 = arith.index_cast %scan3A_231 : i32 to index
        %get3A_256 = arith.constant 48 : index
        %get3A_257 = tpu.vector_load %arg22[%get3A_255, %get3A_256] {strides = array<i32>} : memref<128x128xf32, #tpu.memory_space<vmem>>, vector<16xf32>,
        %mul3A_258 = arith.mulf %get3A_257, %gather3A : vector<16xf32>
        %swap3A_259 = arith.index_cast %scan3A_231 : i32 to index
        %swap3A_260 = arith.constant 48 : index
        %swap3A_261 = tpu.vector_load %arg22[%swap3A_259, %swap3A_260] {strides = array<i32>} : memref<128x128xf32, #tpu.memory_space<vmem>>, vector<16xf32>,
        tpu.vector_store %arg22[%swap3A_259, %swap3A_260], %mul3A_258 {strides = array<i32>} : memref<128x128xf32, #tpu.memory_space<vmem>>, vector<16xf32>,
        %get3A_262 = arith.index_cast %scan3A_231 : i32 to index
        %get3A_263 = arith.constant 64 : index
        %get3A_264 = tpu.vector_load %arg22[%get3A_262, %get3A_263] {strides = array<i32>} : memref<128x128xf32, #tpu.memory_space<vmem>>, vector<16xf32>,
        %mul3A_265 = arith.mulf %get3A_264, %gather3A : vector<16xf32>
        %swap3A_266 = arith.index_cast %scan3A_231 : i32 to index
        %swap3A_267 = arith.constant 64 : index
        %swap3A_268 = tpu.vector_load %arg22[%swap3A_266, %swap3A_267] {strides = array<i32>} : memref<128x128xf32, #tpu.memory_space<vmem>>, vector<16xf32>,
        tpu.vector_store %arg22[%swap3A_266, %swap3A_267], %mul3A_265 {strides = array<i32>} : memref<128x128xf32, #tpu.memory_space<vmem>>, vector<16xf32>,
        %get3A_269 = arith.index_cast %scan3A_231 : i32 to index
        %get3A_270 = arith.constant 80 : index
        %get3A_271 = tpu.vector_load %arg22[%get3A_269, %get3A_270] {strides = array<i32>} : memref<128x128xf32, #tpu.memory_space<vmem>>, vector<16xf32>,
        %mul3A_272 = arith.mulf %get3A_271, %gather3A : vector<16xf32>
        %swap3A_273 = arith.index_cast %scan3A_231 : i32 to index
        %swap3A_274 = arith.constant 80 : index
        %swap3A_275 = tpu.vector_load %arg22[%swap3A_273, %swap3A_274] {strides = array<i32>} : memref<128x128xf32, #tpu.memory_space<vmem>>, vector<16xf32>,
        tpu.vector_store %arg22[%swap3A_273, %swap3A_274], %mul3A_272 {strides = array<i32>} : memref<128x128xf32, #tpu.memory_space<vmem>>, vector<16xf32>,
        %get3A_276 = arith.index_cast %scan3A_231 : i32 to index
        %get3A_277 = arith.constant 96 : index
        %get3A_278 = tpu.vector_load %arg22[%get3A_276, %get3A_277] {strides = array<i32>} : memref<128x128xf32, #tpu.memory_space<vmem>>, vector<16xf32>,
        %mul3A_279 = arith.mulf %get3A_278, %gather3A : vector<16xf32>
        %swap3A_280 = arith.index_cast %scan3A_231 : i32 to index
        %swap3A_281 = arith.constant 96 : index
        %swap3A_282 = tpu.vector_load %arg22[%swap3A_280, %swap3A_281] {strides = array<i32>} : memref<128x128xf32, #tpu.memory_space<vmem>>, vector<16xf32>,
        tpu.vector_store %arg22[%swap3A_280, %swap3A_281], %mul3A_279 {strides = array<i32>} : memref<128x128xf32, #tpu.memory_space<vmem>>, vector<16xf32>,
        %get3A_283 = arith.index_cast %scan3A_231 : i32 to index
        %get3A_284 = arith.constant 112 : index
        %get3A_285 = tpu.vector_load %arg22[%get3A_283, %get3A_284] {strides = array<i32>} : memref<128x128xf32, #tpu.memory_space<vmem>>, vector<16xf32>,
        %mul3A_286 = arith.mulf %get3A_285, %gather3A : vector<16xf32>
        %swap3A_287 = arith.index_cast %scan3A_231 : i32 to index
        %swap3A_288 = arith.constant 112 : index
        %swap3A_289 = tpu.vector_load %arg22[%swap3A_287, %swap3A_288] {strides = array<i32>} : memref<128x128xf32, #tpu.memory_space<vmem>>, vector<16xf32>,
        tpu.vector_store %arg22[%swap3A_287, %swap3A_288], %mul3A_286 {strides = array<i32>} : memref<128x128xf32, #tpu.memory_space<vmem>>, vector<16xf32>,
        %eq3A_290 = arith.constant 0 : i32
        %eq3A_291 = vector.broadcast %eq3A_290 : i32 to vector<16xi32>
        %eq3A_292 = arith.cmpi eq, %iota3A, %eq3A_291 : vector<16xi32>
        %eq3A_293 = arith.constant 1 : i32
        %eq3A_294 = vector.broadcast %eq3A_293 : i32 to vector<16xi32>
        %eq3A_295 = arith.cmpi eq, %iota3A, %eq3A_294 : vector<16xi32>
        %broadcast_in_dim3A_296 = arith.constant 1.000000e+00 : f32
        %broadcast_in_dim3A_297 = vector.broadcast %broadcast_in_dim3A_296 : f32 to vector<16xf32>
        %select_n3A = arith.select %eq3A_295, %broadcast_in_dim3A_297, %broadcast_in_dim3A_0 : vector<16xi1>, vector<16xf32>
        %select_n3A_298 = arith.select %eq3A_292, %gather3A, %select_n3A : vector<16xi1>, vector<16xf32>
        %swap3A_299 = arith.index_cast %scan3A_231 : i32 to index
        %swap3A_300 = arith.constant 0 : index
        %swap3A_301 = tpu.vector_load %arg23[%swap3A_299, %swap3A_300] {strides = array<i32>} : memref<128x16xf32, #tpu.memory_space<vmem>>, vector<16xf32>,
        tpu.vector_store %arg23[%swap3A_299, %swap3A_300], %select_n3A_298 {strides = array<i32>} : memref<128x16xf32, #tpu.memory_space<vmem>>, vector<16xf32>,
      }
      %scan3A_206 = arith.constant 128 : i32
      %add3A_207 = arith.constant 1 : i32
      %add3A_208 = arith.addi %add3A_178, %add3A_207 : i32
      %lt3A_209 = arith.constant 80 : i32
      %lt3A_210 = arith.cmpi slt, %add3A_208, %lt3A_209 : i32
      %convert_element_type3A_211 = arith.extui %lt3A_210 : i1 to i32
      %cond3A_212 = arith.constant 0 : i32
      %cond3A_213 = arith.cmpi ne, %convert_element_type3A_211, %cond3A_212 : i32
      scf.if %cond3A_213 {
        %dma_wait3A_231 = arith.constant 0 : i32
        %dma_wait3A_232 = arith.constant 0 : i32
        %dma_wait3A_233 = tpu.memref_slice %arg6[%dma_wait3A_231, %dma_wait3A_232] : memref<10112x128xf32, #tpu.memory_space<hbm>> -> memref<10112x128xf32, #tpu.memory_space<hbm>>
        tpu.wait_indirect_dma semaphore(%arg37 : memref<!tpu.dma_semaphore, #tpu.memory_space<semaphore_mem>>) src(%dma_wait3A_233 : memref<10112x128xf32, #tpu.memory_space<hbm>>) dst(%arg21 : memref<128x128xf32, #tpu.memory_space<vmem>>)
        %eq3A_234 = arith.constant 0 : i32
        %eq3A_235 = arith.cmpi eq, %arg0, %eq3A_234 : i32
        %convert_element_type3A_236 = arith.extui %eq3A_235 : i1 to i32
        %cond3A_237 = arith.constant 0 : i32
        %cond3A_238 = arith.cmpi ne, %convert_element_type3A_236, %cond3A_237 : i32
        scf.if %cond3A_238 {
          %dma_start3A_244 = arith.constant 0 : i32
          %dma_start3A_245 = arith.constant 0 : i32
          %dma_start3A_246 = tpu.memref_slice %arg7[%dma_start3A_244, %dma_start3A_245] : memref<10112x128xf32, #tpu.memory_space<hbm>> -> memref<10112x128xf32, #tpu.memory_space<hbm>>
          tpu.enqueue_indirect_dma source(%dma_start3A_246 : memref<10112x128xf32, #tpu.memory_space<hbm>>) target(%arg21 : memref<128x128xf32, #tpu.memory_space<vmem>>) offsets(%arg17 : memref<128xi32, #tpu.memory_space<vmem>>) semaphore(%arg37 : memref<!tpu.dma_semaphore, #tpu.memory_space<semaphore_mem>>) {add = true}
        } else {
        }
        %eq3A_239 = arith.constant 1 : i32
        %eq3A_240 = arith.cmpi eq, %arg0, %eq3A_239 : i32
        %convert_element_type3A_241 = arith.extui %eq3A_240 : i1 to i32
        %cond3A_242 = arith.constant 0 : i32
        %cond3A_243 = arith.cmpi ne, %convert_element_type3A_241, %cond3A_242 : i32
        scf.if %cond3A_243 {
          %dma_start3A_244 = arith.constant 0 : i32
          %dma_start3A_245 = arith.constant 0 : i32
          %dma_start3A_246 = tpu.memref_slice %arg6[%dma_start3A_244, %dma_start3A_245] : memref<10112x128xf32, #tpu.memory_space<hbm>> -> memref<10112x128xf32, #tpu.memory_space<hbm>>
          tpu.enqueue_indirect_dma source(%dma_start3A_246 : memref<10112x128xf32, #tpu.memory_space<hbm>>) target(%arg21 : memref<128x128xf32, #tpu.memory_space<vmem>>) offsets(%arg16 : memref<128xi32, #tpu.memory_space<vmem>>) semaphore(%arg37 : memref<!tpu.dma_semaphore, #tpu.memory_space<semaphore_mem>>) {add = true}
        } else {
        }
      } else {
      }
      %eq3A_214 = arith.constant 0 : i32
      %eq3A_215 = arith.cmpi eq, %arg0, %eq3A_214 : i32
      %convert_element_type3A_216 = arith.extui %eq3A_215 : i1 to i32
      %cond3A_217 = arith.constant 0 : i32
      %cond3A_218 = arith.cmpi ne, %convert_element_type3A_216, %cond3A_217 : i32
      scf.if %cond3A_218 {
        "tpu.region"() ({
          %run_scoped3A = tpu.sem_alloc : memref<!tpu.dma_semaphore, #tpu.memory_space<semaphore_mem>>
          %dma_start3A_231 = arith.constant 0 : i32
          %dma_start3A_232 = arith.constant 0 : i32
          %dma_start3A_233 = tpu.memref_slice %arg31[%dma_start3A_231, %dma_start3A_232] : memref<10112x128xf32, #tpu.memory_space<vmem_shared>> -> memref<10112x128xf32, #tpu.memory_space<vmem_shared>>
          tpu.enqueue_indirect_dma source(%arg22 : memref<128x128xf32, #tpu.memory_space<vmem>>) target(%dma_start3A_233 : memref<10112x128xf32, #tpu.memory_space<vmem_shared>>) offsets(%arg18 : memref<128xi32, #tpu.memory_space<vmem>>) semaphore(%run_scoped3A : memref<!tpu.dma_semaphore, #tpu.memory_space<semaphore_mem>>) {add = true}
          %dma_wait3A_234 = arith.constant 0 : i32
          %dma_wait3A_235 = arith.constant 0 : i32
          %dma_wait3A_236 = tpu.memref_slice %arg31[%dma_wait3A_234, %dma_wait3A_235] : memref<10112x128xf32, #tpu.memory_space<vmem_shared>> -> memref<10112x128xf32, #tpu.memory_space<vmem_shared>>
          tpu.wait_indirect_dma semaphore(%run_scoped3A : memref<!tpu.dma_semaphore, #tpu.memory_space<semaphore_mem>>) src(%arg22 : memref<128x128xf32, #tpu.memory_space<vmem>>) dst(%dma_wait3A_236 : memref<10112x128xf32, #tpu.memory_space<vmem_shared>>)
          tpu.yield
        }) : () -> ()
        "tpu.region"() ({
          %run_scoped3A = tpu.sem_alloc : memref<!tpu.dma_semaphore, #tpu.memory_space<semaphore_mem>>
          %dma_start3A_231 = arith.constant 0 : i32
          %dma_start3A_232 = arith.constant 0 : i32
          %dma_start3A_233 = tpu.memref_slice %arg32[%dma_start3A_231, %dma_start3A_232] : memref<10112x16xf32, #tpu.memory_space<vmem_shared>> -> memref<10112x16xf32, #tpu.memory_space<vmem_shared>>
          tpu.enqueue_indirect_dma source(%arg23 : memref<128x16xf32, #tpu.memory_space<vmem>>) target(%dma_start3A_233 : memref<10112x16xf32, #tpu.memory_space<vmem_shared>>) offsets(%arg18 : memref<128xi32, #tpu.memory_space<vmem>>) semaphore(%run_scoped3A : memref<!tpu.dma_semaphore, #tpu.memory_space<semaphore_mem>>) {add = true}
          %dma_wait3A_234 = arith.constant 0 : i32
          %dma_wait3A_235 = arith.constant 0 : i32
          %dma_wait3A_236 = tpu.memref_slice %arg32[%dma_wait3A_234, %dma_wait3A_235] : memref<10112x16xf32, #tpu.memory_space<vmem_shared>> -> memref<10112x16xf32, #tpu.memory_space<vmem_shared>>
          tpu.wait_indirect_dma semaphore(%run_scoped3A : memref<!tpu.dma_semaphore, #tpu.memory_space<semaphore_mem>>) src(%arg23 : memref<128x16xf32, #tpu.memory_space<vmem>>) dst(%dma_wait3A_236 : memref<10112x16xf32, #tpu.memory_space<vmem_shared>>)
          tpu.yield
        }) : () -> ()
      } else {
      }
      %eq3A_219 = arith.constant 1 : i32
      %eq3A_220 = arith.cmpi eq, %arg0, %eq3A_219 : i32
      %convert_element_type3A_221 = arith.extui %eq3A_220 : i1 to i32
      %cond3A_222 = arith.constant 0 : i32
      %cond3A_223 = arith.cmpi ne, %convert_element_type3A_221, %cond3A_222 : i32
      scf.if %cond3A_223 {
        "tpu.region"() ({
          %run_scoped3A = tpu.sem_alloc : memref<!tpu.dma_semaphore, #tpu.memory_space<semaphore_mem>>
          %dma_start3A_231 = arith.constant 0 : i32
          %dma_start3A_232 = arith.constant 0 : i32
          %dma_start3A_233 = tpu.memref_slice %arg31[%dma_start3A_231, %dma_start3A_232] : memref<10112x128xf32, #tpu.memory_space<vmem_shared>> -> memref<10112x128xf32, #tpu.memory_space<vmem_shared>>
          tpu.enqueue_indirect_dma source(%arg22 : memref<128x128xf32, #tpu.memory_space<vmem>>) target(%dma_start3A_233 : memref<10112x128xf32, #tpu.memory_space<vmem_shared>>) offsets(%arg20 : memref<128xi32, #tpu.memory_space<vmem>>) semaphore(%run_scoped3A : memref<!tpu.dma_semaphore, #tpu.memory_space<semaphore_mem>>) {add = true}
          %dma_wait3A_234 = arith.constant 0 : i32
          %dma_wait3A_235 = arith.constant 0 : i32
          %dma_wait3A_236 = tpu.memref_slice %arg31[%dma_wait3A_234, %dma_wait3A_235] : memref<10112x128xf32, #tpu.memory_space<vmem_shared>> -> memref<10112x128xf32, #tpu.memory_space<vmem_shared>>
          tpu.wait_indirect_dma semaphore(%run_scoped3A : memref<!tpu.dma_semaphore, #tpu.memory_space<semaphore_mem>>) src(%arg22 : memref<128x128xf32, #tpu.memory_space<vmem>>) dst(%dma_wait3A_236 : memref<10112x128xf32, #tpu.memory_space<vmem_shared>>)
          tpu.yield
        }) : () -> ()
        "tpu.region"() ({
          %run_scoped3A = tpu.sem_alloc : memref<!tpu.dma_semaphore, #tpu.memory_space<semaphore_mem>>
          %dma_start3A_231 = arith.constant 0 : i32
          %dma_start3A_232 = arith.constant 0 : i32
          %dma_start3A_233 = tpu.memref_slice %arg32[%dma_start3A_231, %dma_start3A_232] : memref<10112x16xf32, #tpu.memory_space<vmem_shared>> -> memref<10112x16xf32, #tpu.memory_space<vmem_shared>>
          tpu.enqueue_indirect_dma source(%arg23 : memref<128x16xf32, #tpu.memory_space<vmem>>) target(%dma_start3A_233 : memref<10112x16xf32, #tpu.memory_space<vmem_shared>>) offsets(%arg20 : memref<128xi32, #tpu.memory_space<vmem>>) semaphore(%run_scoped3A : memref<!tpu.dma_semaphore, #tpu.memory_space<semaphore_mem>>) {add = true}
          %dma_wait3A_234 = arith.constant 0 : i32
          %dma_wait3A_235 = arith.constant 0 : i32
          %dma_wait3A_236 = tpu.memref_slice %arg32[%dma_wait3A_234, %dma_wait3A_235] : memref<10112x16xf32, #tpu.memory_space<vmem_shared>> -> memref<10112x16xf32, #tpu.memory_space<vmem_shared>>
          tpu.wait_indirect_dma semaphore(%run_scoped3A : memref<!tpu.dma_semaphore, #tpu.memory_space<semaphore_mem>>) src(%arg23 : memref<128x16xf32, #tpu.memory_space<vmem>>) dst(%dma_wait3A_236 : memref<10112x16xf32, #tpu.memory_space<vmem_shared>>)
          tpu.yield
        }) : () -> ()
      } else {
      }
      %add3A_224 = arith.constant 2 : i32
      %add3A_225 = arith.addi %add3A_178, %add3A_224 : i32
      %lt3A_226 = arith.constant 80 : i32
      %lt3A_227 = arith.cmpi slt, %add3A_225, %lt3A_226 : i32
      %convert_element_type3A_228 = arith.extui %lt3A_227 : i1 to i32
      %cond3A_229 = arith.constant 0 : i32
      %cond3A_230 = arith.cmpi ne, %convert_element_type3A_228, %cond3A_229 : i32
      scf.if %cond3A_230 {
        %add3A_231 = arith.constant 2 : i32
        %add3A_232 = arith.addi %add3A_178, %add3A_231 : i32
        %mul3A_233 = arith.constant 10240 : i32
        %mul3A_234 = arith.muli %arg1, %mul3A_233 : i32
        %mul3A_235 = arith.constant 128 : i32
        %mul3A_236 = arith.muli %add3A_232, %mul3A_235 : i32
        %add3A_237 = arith.addi %mul3A_234, %mul3A_236 : i32
        %dma_start3A_238 = tpu.memref_slice %arg2[%add3A_237] : memref<163840xi32, #tpu.memory_space<hbm>> -> memref<128xi32, #tpu.memory_space<hbm>>
        %dma_start3A_239 = tpu.memref_slice %arg2[%add3A_237] : memref<163840xi32, #tpu.memory_space<hbm>> -> memref<128xi32, #tpu.memory_space<hbm>>
        tpu.enqueue_dma source(%dma_start3A_239 : memref<128xi32, #tpu.memory_space<hbm>>) target(%arg18 : memref<128xi32, #tpu.memory_space<vmem>>) target_semaphore(%arg34 : memref<!tpu.dma_semaphore, #tpu.memory_space<semaphore_mem>>)
        %mul3A_240 = arith.constant 10240 : i32
        %mul3A_241 = arith.muli %arg1, %mul3A_240 : i32
        %mul3A_242 = arith.constant 128 : i32
        %mul3A_243 = arith.muli %add3A_232, %mul3A_242 : i32
        %add3A_244 = arith.addi %mul3A_241, %mul3A_243 : i32
        %dma_start3A_245 = tpu.memref_slice %arg3[%add3A_244] : memref<163840xi32, #tpu.memory_space<hbm>> -> memref<128xi32, #tpu.memory_space<hbm>>
        %dma_start3A_246 = tpu.memref_slice %arg3[%add3A_244] : memref<163840xi32, #tpu.memory_space<hbm>> -> memref<128xi32, #tpu.memory_space<hbm>>
        tpu.enqueue_dma source(%dma_start3A_246 : memref<128xi32, #tpu.memory_space<hbm>>) target(%arg19 : memref<128xi32, #tpu.memory_space<vmem>>) target_semaphore(%arg34 : memref<!tpu.dma_semaphore, #tpu.memory_space<semaphore_mem>>)
        %mul3A_247 = arith.constant 10240 : i32
        %mul3A_248 = arith.muli %arg1, %mul3A_247 : i32
        %mul3A_249 = arith.constant 128 : i32
        %mul3A_250 = arith.muli %add3A_232, %mul3A_249 : i32
        %add3A_251 = arith.addi %mul3A_248, %mul3A_250 : i32
        %dma_start3A_252 = tpu.memref_slice %arg4[%add3A_251] : memref<163840xi32, #tpu.memory_space<hbm>> -> memref<128xi32, #tpu.memory_space<hbm>>
        %dma_start3A_253 = tpu.memref_slice %arg4[%add3A_251] : memref<163840xi32, #tpu.memory_space<hbm>> -> memref<128xi32, #tpu.memory_space<hbm>>
        tpu.enqueue_dma source(%dma_start3A_253 : memref<128xi32, #tpu.memory_space<hbm>>) target(%arg20 : memref<128xi32, #tpu.memory_space<vmem>>) target_semaphore(%arg34 : memref<!tpu.dma_semaphore, #tpu.memory_space<semaphore_mem>>)
      } else {
      }
    }
    %scan3A_109 = arith.constant 40 : i32
    %barrier3A_110 = arith.constant 0 : index
    tpu.barrier barrier_id(%barrier3A_110)
    %eq3A_111 = arith.constant 0 : i32
    %eq3A_112 = arith.cmpi eq, %arg0, %eq3A_111 : i32
    %convert_element_type3A_113 = arith.extui %eq3A_112 : i1 to i32
    %cond3A_114 = arith.constant 0 : i32
    %cond3A_115 = arith.cmpi ne, %convert_element_type3A_113, %cond3A_114 : i32
    scf.if %cond3A_115 {
      "tpu.region"() ({
        %run_scoped3A = tpu.sem_alloc : memref<!tpu.dma_semaphore, #tpu.memory_space<semaphore_mem>>
        %dma_start3A_121 = arith.constant 0 : i32
        %dma_start3A_122 = tpu.memref_slice %arg11[%mul3A_6, %dma_start3A_121] : memref<10112x128xf32, #tpu.memory_space<hbm>> -> memref<632x128xf32, #tpu.memory_space<hbm>>
        %dma_start3A_123 = arith.constant 0 : i32
        %dma_start3A_124 = tpu.memref_slice %arg31[%mul3A_6, %dma_start3A_123] : memref<10112x128xf32, #tpu.memory_space<vmem_shared>> -> memref<632x128xf32, #tpu.memory_space<vmem_shared>>
        tpu.enqueue_dma source(%dma_start3A_124 : memref<632x128xf32, #tpu.memory_space<vmem_shared>>) target(%dma_start3A_122 : memref<632x128xf32, #tpu.memory_space<hbm>>) target_semaphore(%run_scoped3A : memref<!tpu.dma_semaphore, #tpu.memory_space<semaphore_mem>>)
        %dma_wait3A_125 = arith.constant 0 : i32
        %dma_wait3A_126 = tpu.memref_slice %arg11[%mul3A_6, %dma_wait3A_125] : memref<10112x128xf32, #tpu.memory_space<hbm>> -> memref<632x128xf32, #tpu.memory_space<hbm>>
        %dma_wait3A_127 = arith.constant 0 : i32
        %dma_wait3A_128 = tpu.memref_slice %arg31[%mul3A_6, %dma_wait3A_127] : memref<10112x128xf32, #tpu.memory_space<vmem_shared>> -> memref<632x128xf32, #tpu.memory_space<vmem_shared>>
        tpu.wait_dma2 semaphore(%run_scoped3A : memref<!tpu.dma_semaphore, #tpu.memory_space<semaphore_mem>>) src(%dma_wait3A_128 : memref<632x128xf32, #tpu.memory_space<vmem_shared>>) dst(%dma_wait3A_126 : memref<632x128xf32, #tpu.memory_space<hbm>>)
        tpu.yield
      }) : () -> ()
      "tpu.region"() ({
        %run_scoped3A = tpu.sem_alloc : memref<!tpu.dma_semaphore, #tpu.memory_space<semaphore_mem>>
        %dma_start3A_121 = arith.constant 0 : i32
        %dma_start3A_122 = tpu.memref_slice %arg12[%mul3A_6, %dma_start3A_121] : memref<10112x16xf32, #tpu.memory_space<hbm>> -> memref<632x16xf32, #tpu.memory_space<hbm>>
        %dma_start3A_123 = arith.constant 0 : i32
        %dma_start3A_124 = tpu.memref_slice %arg32[%mul3A_6, %dma_start3A_123] : memref<10112x16xf32, #tpu.memory_space<vmem_shared>> -> memref<632x16xf32, #tpu.memory_space<vmem_shared>>
        tpu.enqueue_dma source(%dma_start3A_124 : memref<632x16xf32, #tpu.memory_space<vmem_shared>>) target(%dma_start3A_122 : memref<632x16xf32, #tpu.memory_space<hbm>>) target_semaphore(%run_scoped3A : memref<!tpu.dma_semaphore, #tpu.memory_space<semaphore_mem>>)
        %dma_wait3A_125 = arith.constant 0 : i32
        %dma_wait3A_126 = tpu.memref_slice %arg12[%mul3A_6, %dma_wait3A_125] : memref<10112x16xf32, #tpu.memory_space<hbm>> -> memref<632x16xf32, #tpu.memory_space<hbm>>
        %dma_wait3A_127 = arith.constant 0 : i32
        %dma_wait3A_128 = tpu.memref_slice %arg32[%mul3A_6, %dma_wait3A_127] : memref<10112x16xf32, #tpu.memory_space<vmem_shared>> -> memref<632x16xf32, #tpu.memory_space<vmem_shared>>
        tpu.wait_dma2 semaphore(%run_scoped3A : memref<!tpu.dma_semaphore, #tpu.memory_space<semaphore_mem>>) src(%dma_wait3A_128 : memref<632x16xf32, #tpu.memory_space<vmem_shared>>) dst(%dma_wait3A_126 : memref<632x16xf32, #tpu.memory_space<hbm>>)
        tpu.yield
      }) : () -> ()
    } else {
    }
    %eq3A_116 = arith.constant 1 : i32
    %eq3A_117 = arith.cmpi eq, %arg0, %eq3A_116 : i32
    %convert_element_type3A_118 = arith.extui %eq3A_117 : i1 to i32
    %cond3A_119 = arith.constant 0 : i32
    %cond3A_120 = arith.cmpi ne, %convert_element_type3A_118, %cond3A_119 : i32
    scf.if %cond3A_120 {
      "tpu.region"() ({
        %run_scoped3A = tpu.sem_alloc : memref<!tpu.dma_semaphore, #tpu.memory_space<semaphore_mem>>
        %dma_start3A_121 = arith.constant 0 : i32
        %dma_start3A_122 = tpu.memref_slice %arg13[%mul3A_6, %dma_start3A_121] : memref<10112x128xf32, #tpu.memory_space<hbm>> -> memref<632x128xf32, #tpu.memory_space<hbm>>
        %dma_start3A_123 = arith.constant 0 : i32
        %dma_start3A_124 = tpu.memref_slice %arg31[%mul3A_6, %dma_start3A_123] : memref<10112x128xf32, #tpu.memory_space<vmem_shared>> -> memref<632x128xf32, #tpu.memory_space<vmem_shared>>
        tpu.enqueue_dma source(%dma_start3A_124 : memref<632x128xf32, #tpu.memory_space<vmem_shared>>) target(%dma_start3A_122 : memref<632x128xf32, #tpu.memory_space<hbm>>) target_semaphore(%run_scoped3A : memref<!tpu.dma_semaphore, #tpu.memory_space<semaphore_mem>>)
        %dma_wait3A_125 = arith.constant 0 : i32
        %dma_wait3A_126 = tpu.memref_slice %arg13[%mul3A_6, %dma_wait3A_125] : memref<10112x128xf32, #tpu.memory_space<hbm>> -> memref<632x128xf32, #tpu.memory_space<hbm>>
        %dma_wait3A_127 = arith.constant 0 : i32
        %dma_wait3A_128 = tpu.memref_slice %arg31[%mul3A_6, %dma_wait3A_127] : memref<10112x128xf32, #tpu.memory_space<vmem_shared>> -> memref<632x128xf32, #tpu.memory_space<vmem_shared>>
        tpu.wait_dma2 semaphore(%run_scoped3A : memref<!tpu.dma_semaphore, #tpu.memory_space<semaphore_mem>>) src(%dma_wait3A_128 : memref<632x128xf32, #tpu.memory_space<vmem_shared>>) dst(%dma_wait3A_126 : memref<632x128xf32, #tpu.memory_space<hbm>>)
        tpu.yield
      }) : () -> ()
      "tpu.region"() ({
        %run_scoped3A = tpu.sem_alloc : memref<!tpu.dma_semaphore, #tpu.memory_space<semaphore_mem>>
        %dma_start3A_121 = arith.constant 0 : i32
        %dma_start3A_122 = tpu.memref_slice %arg14[%mul3A_6, %dma_start3A_121] : memref<10112x16xf32, #tpu.memory_space<hbm>> -> memref<632x16xf32, #tpu.memory_space<hbm>>
        %dma_start3A_123 = arith.constant 0 : i32
        %dma_start3A_124 = tpu.memref_slice %arg32[%mul3A_6, %dma_start3A_123] : memref<10112x16xf32, #tpu.memory_space<vmem_shared>> -> memref<632x16xf32, #tpu.memory_space<vmem_shared>>
        tpu.enqueue_dma source(%dma_start3A_124 : memref<632x16xf32, #tpu.memory_space<vmem_shared>>) target(%dma_start3A_122 : memref<632x16xf32, #tpu.memory_space<hbm>>) target_semaphore(%run_scoped3A : memref<!tpu.dma_semaphore, #tpu.memory_space<semaphore_mem>>)
        %dma_wait3A_125 = arith.constant 0 : i32
        %dma_wait3A_126 = tpu.memref_slice %arg14[%mul3A_6, %dma_wait3A_125] : memref<10112x16xf32, #tpu.memory_space<hbm>> -> memref<632x16xf32, #tpu.memory_space<hbm>>
        %dma_wait3A_127 = arith.constant 0 : i32
        %dma_wait3A_128 = tpu.memref_slice %arg32[%mul3A_6, %dma_wait3A_127] : memref<10112x16xf32, #tpu.memory_space<vmem_shared>> -> memref<632x16xf32, #tpu.memory_space<vmem_shared>>
        tpu.wait_dma2 semaphore(%run_scoped3A : memref<!tpu.dma_semaphore, #tpu.memory_space<semaphore_mem>>) src(%dma_wait3A_128 : memref<632x16xf32, #tpu.memory_space<vmem_shared>>) dst(%dma_wait3A_126 : memref<632x16xf32, #tpu.memory_space<hbm>>)
        tpu.yield
      }) : () -> ()
    } else {
    }
    return
  }
}

module attributes {stable_mosaic.version = 14 : i64} {
  func.func @_prep_body(%arg0: memref<10112x128xf32, #tpu.memory_space<vmem>>, %arg1: memref<10112x128xf32, #tpu.memory_space<vmem>>, %arg2: memref<128x384xf32, #tpu.memory_space<vmem>>, %arg3: memref<1x128xf32, #tpu.memory_space<vmem>>, %arg4: memref<1x128xf32, #tpu.memory_space<vmem>>, %arg5: memref<1x1xf32, #tpu.memory_space<vmem>>, %arg6: memref<3x163840xi32, #tpu.memory_space<vmem>>, %arg7: memref<10112x128xf32, #tpu.memory_space<vmem>>, %arg8: memref<10112x128xf32, #tpu.memory_space<vmem>>, %arg9: memref<10112x128xf32, #tpu.memory_space<vmem>>, %arg10: memref<10112xf32, #tpu.memory_space<vmem>>, %arg11: memref<10112xf32, #tpu.memory_space<vmem>>, %arg12: memref<10112xf32, #tpu.memory_space<vmem>>, %arg13: memref<163840xi32, #tpu.memory_space<vmem>>, %arg14: memref<163840xi32, #tpu.memory_space<vmem>>, %arg15: memref<163840xi32, #tpu.memory_space<vmem>>) attributes {dimension_semantics = [], scalar_prefetch = 0 : i64, scratch_operands = 0 : i64, tpu.core_type = #tpu.core_type<tc>} {
    %get3A = arith.constant 0 : index
    %get3A_0 = arith.constant 0 : index
    %get3A_1 = vector.load %arg2[%get3A, %get3A_0] : memref<128x384xf32, #tpu.memory_space<vmem>>, vector<128x384xf32>
    %get3A_2 = arith.constant 0 : index
    %get3A_3 = arith.constant 0 : index
    %get3A_4 = vector.load %arg0[%get3A_2, %get3A_3] : memref<10112x128xf32, #tpu.memory_space<vmem>>, vector<10112x128xf32>
    %get3A_5 = arith.constant 0 : index
    %get3A_6 = arith.constant 0 : index
    %get3A_7 = vector.load %arg1[%get3A_5, %get3A_6] : memref<10112x128xf32, #tpu.memory_space<vmem>>, vector<10112x128xf32>
    %slice3A = vector.extract_strided_slice %get3A_1 {offsets = [0, 0], sizes = [128, 128], strides = [1, 1]} : vector<128x384xf32> to vector<128x128xf32>
    %transpose3A = tpu.transpose %slice3A, [1, 0] : vector<128x128xf32> -> vector<128x128xf32>
    %dot_general3A = arith.constant dense<0.000000e+00> : vector<10112x128xf32>
    %dot_general3A_8 = tpu.matmul %get3A_4, %transpose3A, %dot_general3A {dimension_numbers = #tpu.dot_dimension_numbers<[1], [0], [0], [1], [0, 0, 1, 1], [], []>, transpose_lhs_hint = false} : vector<10112x128xf32>, vector<128x128xf32>, vector<10112x128xf32> -> vector<10112x128xf32>
    %slice3A_9 = vector.extract_strided_slice %get3A_1 {offsets = [0, 128], sizes = [128, 128], strides = [1, 1]} : vector<128x384xf32> to vector<128x128xf32>
    %transpose3A_10 = tpu.transpose %slice3A_9, [1, 0] : vector<128x128xf32> -> vector<128x128xf32>
    %dot_general3A_11 = arith.constant dense<0.000000e+00> : vector<10112x128xf32>
    %dot_general3A_12 = tpu.matmul %get3A_4, %transpose3A_10, %dot_general3A_11 {dimension_numbers = #tpu.dot_dimension_numbers<[1], [0], [0], [1], [0, 0, 1, 1], [], []>, transpose_lhs_hint = false} : vector<10112x128xf32>, vector<128x128xf32>, vector<10112x128xf32> -> vector<10112x128xf32>
    %slice3A_13 = vector.extract_strided_slice %get3A_1 {offsets = [0, 256], sizes = [128, 128], strides = [1, 1]} : vector<128x384xf32> to vector<128x128xf32>
    %transpose3A_14 = tpu.transpose %slice3A_13, [1, 0] : vector<128x128xf32> -> vector<128x128xf32>
    %dot_general3A_15 = arith.constant dense<0.000000e+00> : vector<10112x128xf32>
    %dot_general3A_16 = tpu.matmul %get3A_7, %transpose3A_14, %dot_general3A_15 {dimension_numbers = #tpu.dot_dimension_numbers<[1], [0], [0], [1], [0, 0, 1, 1], [], []>, transpose_lhs_hint = false} : vector<10112x128xf32>, vector<128x128xf32>, vector<10112x128xf32> -> vector<10112x128xf32>
    %get3A_17 = arith.constant 0 : index
    %get3A_18 = arith.constant 0 : index
    %get3A_19 = vector.load %arg3[%get3A_17, %get3A_18] : memref<1x128xf32, #tpu.memory_space<vmem>>, vector<1x128xf32>
    %add3A = vector.broadcast %get3A_19 : vector<1x128xf32> to vector<10112x128xf32>
    %add3A_20 = arith.addf %dot_general3A_16, %add3A : vector<10112x128xf32>
    %get3A_21 = arith.constant 0 : index
    %get3A_22 = arith.constant 0 : index
    %get3A_23 = vector.load %arg4[%get3A_21, %get3A_22] : memref<1x128xf32, #tpu.memory_space<vmem>>, vector<1x128xf32>
    %transpose3A_24 = tpu.transpose %dot_general3A_8, [1, 0] : vector<10112x128xf32> -> vector<128x10112xf32>
    %dot_general3A_25 = arith.constant dense<0.000000e+00> : vector<1x10112xf32>
    %dot_general3A_26 = tpu.matmul %get3A_23, %transpose3A_24, %dot_general3A_25 {dimension_numbers = #tpu.dot_dimension_numbers<[1], [0], [0], [1], [0, 0, 1, 1], [], []>, transpose_lhs_hint = false} : vector<1x128xf32>, vector<128x10112xf32>, vector<1x10112xf32> -> vector<1x10112xf32>
    %transpose3A_27 = tpu.transpose %dot_general3A_12, [1, 0] : vector<10112x128xf32> -> vector<128x10112xf32>
    %dot_general3A_28 = arith.constant dense<0.000000e+00> : vector<1x10112xf32>
    %dot_general3A_29 = tpu.matmul %get3A_23, %transpose3A_27, %dot_general3A_28 {dimension_numbers = #tpu.dot_dimension_numbers<[1], [0], [0], [1], [0, 0, 1, 1], [], []>, transpose_lhs_hint = false} : vector<1x128xf32>, vector<128x10112xf32>, vector<1x10112xf32> -> vector<1x10112xf32>
    %transpose3A_30 = tpu.transpose %add3A_20, [1, 0] : vector<10112x128xf32> -> vector<128x10112xf32>
    %dot_general3A_31 = arith.constant dense<0.000000e+00> : vector<1x10112xf32>
    %dot_general3A_32 = tpu.matmul %get3A_23, %transpose3A_30, %dot_general3A_31 {dimension_numbers = #tpu.dot_dimension_numbers<[1], [0], [0], [1], [0, 0, 1, 1], [], []>, transpose_lhs_hint = false} : vector<1x128xf32>, vector<128x10112xf32>, vector<1x10112xf32> -> vector<1x10112xf32>
    %get3A_33 = arith.constant 0 : index
    %get3A_34 = arith.constant 0 : index
    %get3A_35 = vector.load %arg5[%get3A_33, %get3A_34] : memref<1x1xf32, #tpu.memory_space<vmem>>, vector<1x1xf32>
    %add3A_36 = vector.broadcast %get3A_35 : vector<1x1xf32> to vector<1x10112xf32>
    %add3A_37 = arith.addf %dot_general3A_32, %add3A_36 : vector<1x10112xf32>
    %swap3A = arith.constant 0 : index
    %swap3A_38 = arith.constant 0 : index
    %swap3A_39 = vector.load %arg7[%swap3A, %swap3A_38] : memref<10112x128xf32, #tpu.memory_space<vmem>>, vector<10112x128xf32>
    tpu.vector_store %arg7[%swap3A, %swap3A_38], %dot_general3A_8 {strides = array<i32>} : memref<10112x128xf32, #tpu.memory_space<vmem>>, vector<10112x128xf32>,
    %swap3A_40 = arith.constant 0 : index
    %swap3A_41 = arith.constant 0 : index
    %swap3A_42 = vector.load %arg8[%swap3A_40, %swap3A_41] : memref<10112x128xf32, #tpu.memory_space<vmem>>, vector<10112x128xf32>
    tpu.vector_store %arg8[%swap3A_40, %swap3A_41], %dot_general3A_12 {strides = array<i32>} : memref<10112x128xf32, #tpu.memory_space<vmem>>, vector<10112x128xf32>,
    %swap3A_43 = arith.constant 0 : index
    %swap3A_44 = arith.constant 0 : index
    %swap3A_45 = vector.load %arg9[%swap3A_43, %swap3A_44] : memref<10112x128xf32, #tpu.memory_space<vmem>>, vector<10112x128xf32>
    tpu.vector_store %arg9[%swap3A_43, %swap3A_44], %add3A_20 {strides = array<i32>} : memref<10112x128xf32, #tpu.memory_space<vmem>>, vector<10112x128xf32>,
    %reshape3A = vector.shape_cast %dot_general3A_26 : vector<1x10112xf32> to vector<10112xf32>
    %swap3A_46 = arith.constant 0 : index
    %swap3A_47 = vector.load %arg10[%swap3A_46] : memref<10112xf32, #tpu.memory_space<vmem>>, vector<10112xf32>
    tpu.vector_store %arg10[%swap3A_46], %reshape3A {strides = array<i32>} : memref<10112xf32, #tpu.memory_space<vmem>>, vector<10112xf32>,
    %reshape3A_48 = vector.shape_cast %dot_general3A_29 : vector<1x10112xf32> to vector<10112xf32>
    %swap3A_49 = arith.constant 0 : index
    %swap3A_50 = vector.load %arg11[%swap3A_49] : memref<10112xf32, #tpu.memory_space<vmem>>, vector<10112xf32>
    tpu.vector_store %arg11[%swap3A_49], %reshape3A_48 {strides = array<i32>} : memref<10112xf32, #tpu.memory_space<vmem>>, vector<10112xf32>,
    %reshape3A_51 = vector.shape_cast %add3A_37 : vector<1x10112xf32> to vector<10112xf32>
    %swap3A_52 = arith.constant 0 : index
    %swap3A_53 = vector.load %arg12[%swap3A_52] : memref<10112xf32, #tpu.memory_space<vmem>>, vector<10112xf32>
    tpu.vector_store %arg12[%swap3A_52], %reshape3A_51 {strides = array<i32>} : memref<10112xf32, #tpu.memory_space<vmem>>, vector<10112xf32>,
    %get3A_54 = arith.constant 0 : index
    %get3A_55 = arith.constant 0 : index
    %get3A_56 = vector.load %arg6[%get3A_54, %get3A_55] : memref<3x163840xi32, #tpu.memory_space<vmem>>, vector<3x163840xi32>
    %slice3A_57 = vector.extract_strided_slice %get3A_56 {offsets = [0, 0], sizes = [1, 163840], strides = [1, 1]} : vector<3x163840xi32> to vector<1x163840xi32>
    %squeeze3A = vector.shape_cast %slice3A_57 : vector<1x163840xi32> to vector<163840xi32>
    %swap3A_58 = arith.constant 0 : index
    %swap3A_59 = vector.load %arg13[%swap3A_58] : memref<163840xi32, #tpu.memory_space<vmem>>, vector<163840xi32>
    tpu.vector_store %arg13[%swap3A_58], %squeeze3A {strides = array<i32>} : memref<163840xi32, #tpu.memory_space<vmem>>, vector<163840xi32>,
    %slice3A_60 = vector.extract_strided_slice %get3A_56 {offsets = [1, 0], sizes = [1, 163840], strides = [1, 1]} : vector<3x163840xi32> to vector<1x163840xi32>
    %squeeze3A_61 = vector.shape_cast %slice3A_60 : vector<1x163840xi32> to vector<163840xi32>
    %swap3A_62 = arith.constant 0 : index
    %swap3A_63 = vector.load %arg14[%swap3A_62] : memref<163840xi32, #tpu.memory_space<vmem>>, vector<163840xi32>
    tpu.vector_store %arg14[%swap3A_62], %squeeze3A_61 {strides = array<i32>} : memref<163840xi32, #tpu.memory_space<vmem>>, vector<163840xi32>,
    %slice3A_64 = vector.extract_strided_slice %get3A_56 {offsets = [2, 0], sizes = [1, 163840], strides = [1, 1]} : vector<3x163840xi32> to vector<1x163840xi32>
    %squeeze3A_65 = vector.shape_cast %slice3A_64 : vector<1x163840xi32> to vector<163840xi32>
    %swap3A_66 = arith.constant 0 : index
    %swap3A_67 = vector.load %arg15[%swap3A_66] : memref<163840xi32, #tpu.memory_space<vmem>>, vector<163840xi32>
    tpu.vector_store %arg15[%swap3A_66], %squeeze3A_65 {strides = array<i32>} : memref<163840xi32, #tpu.memory_space<vmem>>, vector<163840xi32>,
    return
  }
}

module attributes {stable_mosaic.version = 14 : i64} {
  func.func @_fin_body(%arg0: memref<10112x128xf32, #tpu.memory_space<vmem>>, %arg1: memref<10112x16xf32, #tpu.memory_space<vmem>>, %arg2: memref<10112x128xf32, #tpu.memory_space<vmem>>, %arg3: memref<10112x16xf32, #tpu.memory_space<vmem>>, %arg4: memref<10112x128xf32, #tpu.memory_space<vmem>>, %arg5: memref<10112x128xf32, #tpu.memory_space<vmem>>, %arg6: memref<10000x128xf32, #tpu.memory_space<vmem>>, %arg7: memref<10000x128xf32, #tpu.memory_space<vmem>>) attributes {dimension_semantics = [], scalar_prefetch = 0 : i64, scratch_operands = 0 : i64, tpu.core_type = #tpu.core_type<tc>} {
    %get3A = arith.constant 0 : index
    %get3A_0 = arith.constant 0 : index
    %get3A_1 = vector.load %arg1[%get3A, %get3A_0] : memref<10112x16xf32, #tpu.memory_space<vmem>>, vector<10112x16xf32>
    %slice3A = vector.extract_strided_slice %get3A_1 {offsets = [0, 0], sizes = [10000, 1], strides = [1, 1]} : vector<10112x16xf32> to vector<10000x1xf32>
    %get3A_2 = arith.constant 0 : index
    %get3A_3 = arith.constant 0 : index
    %get3A_4 = vector.load %arg0[%get3A_2, %get3A_3] : memref<10112x128xf32, #tpu.memory_space<vmem>>, vector<10112x128xf32>
    %slice3A_5 = vector.extract_strided_slice %get3A_4 {offsets = [0, 0], sizes = [10000, 128], strides = [1, 1]} : vector<10112x128xf32> to vector<10000x128xf32>
    %get3A_6 = arith.constant 0 : index
    %get3A_7 = arith.constant 0 : index
    %get3A_8 = vector.load %arg4[%get3A_6, %get3A_7] : memref<10112x128xf32, #tpu.memory_space<vmem>>, vector<10112x128xf32>
    %slice3A_9 = vector.extract_strided_slice %get3A_8 {offsets = [0, 0], sizes = [10000, 128], strides = [1, 1]} : vector<10112x128xf32> to vector<10000x128xf32>
    %mul3A = vector.broadcast %slice3A : vector<10000x1xf32> to vector<10000x128xf32>
    %mul3A_10 = arith.mulf %mul3A, %slice3A_9 : vector<10000x128xf32>
    %add3A = arith.addf %slice3A_5, %mul3A_10 : vector<10000x128xf32>
    %eq3A = arith.constant 0.000000e+00 : f32
    %eq3A_11 = vector.broadcast %eq3A : f32 to vector<10000x1xf32>
    %eq3A_12 = arith.cmpf oeq, %slice3A, %eq3A_11 : vector<10000x1xf32>
    %jit3A = arith.constant 9.99999996E-13 : f32
    %broadcast_in_dim3A = vector.broadcast %jit3A : f32 to vector<10000x1xf32>
    %select_n3A = arith.select %eq3A_12, %broadcast_in_dim3A, %slice3A : vector<10000x1xi1>, vector<10000x1xf32>
    %div3A = vector.broadcast %select_n3A : vector<10000x1xf32> to vector<10000x128xf32>
    %div3A_13 = arith.divf %add3A, %div3A : vector<10000x128xf32>
    %gt3A = arith.constant 0.000000e+00 : f32
    %gt3A_14 = vector.broadcast %gt3A : f32 to vector<10000x128xf32>
    %gt3A_15 = arith.cmpf ogt, %div3A_13, %gt3A_14 : vector<10000x128xf32>
    %exp3A = math.exp %div3A_13 : vector<10000x128xf32>
    %sub3A = arith.constant 1.000000e+00 : f32
    %sub3A_16 = vector.broadcast %sub3A : f32 to vector<10000x128xf32>
    %sub3A_17 = arith.subf %exp3A, %sub3A_16 : vector<10000x128xf32>
    %select_n3A_18 = arith.select %gt3A_15, %div3A_13, %sub3A_17 : vector<10000x128xi1>, vector<10000x128xf32>
    %swap3A = arith.constant 0 : index
    %swap3A_19 = arith.constant 0 : index
    %swap3A_20 = vector.load %arg6[%swap3A, %swap3A_19] : memref<10000x128xf32, #tpu.memory_space<vmem>>, vector<10000x128xf32>
    tpu.vector_store %arg6[%swap3A, %swap3A_19], %select_n3A_18 {strides = array<i32>} : memref<10000x128xf32, #tpu.memory_space<vmem>>, vector<10000x128xf32>,
    %get3A_21 = arith.constant 0 : index
    %get3A_22 = arith.constant 0 : index
    %get3A_23 = vector.load %arg3[%get3A_21, %get3A_22] : memref<10112x16xf32, #tpu.memory_space<vmem>>, vector<10112x16xf32>
    %slice3A_24 = vector.extract_strided_slice %get3A_23 {offsets = [0, 0], sizes = [10000, 1], strides = [1, 1]} : vector<10112x16xf32> to vector<10000x1xf32>
    %get3A_25 = arith.constant 0 : index
    %get3A_26 = arith.constant 0 : index
    %get3A_27 = vector.load %arg2[%get3A_25, %get3A_26] : memref<10112x128xf32, #tpu.memory_space<vmem>>, vector<10112x128xf32>
    %slice3A_28 = vector.extract_strided_slice %get3A_27 {offsets = [0, 0], sizes = [10000, 128], strides = [1, 1]} : vector<10112x128xf32> to vector<10000x128xf32>
    %get3A_29 = arith.constant 0 : index
    %get3A_30 = arith.constant 0 : index
    %get3A_31 = vector.load %arg5[%get3A_29, %get3A_30] : memref<10112x128xf32, #tpu.memory_space<vmem>>, vector<10112x128xf32>
    %slice3A_32 = vector.extract_strided_slice %get3A_31 {offsets = [0, 0], sizes = [10000, 128], strides = [1, 1]} : vector<10112x128xf32> to vector<10000x128xf32>
    %mul3A_33 = vector.broadcast %slice3A_24 : vector<10000x1xf32> to vector<10000x128xf32>
    %mul3A_34 = arith.mulf %mul3A_33, %slice3A_32 : vector<10000x128xf32>
    %add3A_35 = arith.addf %slice3A_28, %mul3A_34 : vector<10000x128xf32>
    %get3A_36 = arith.constant 0 : index
    %get3A_37 = arith.constant 0 : index
    %get3A_38 = vector.load %arg3[%get3A_36, %get3A_37] : memref<10112x16xf32, #tpu.memory_space<vmem>>, vector<10112x16xf32>
    %slice3A_39 = vector.extract_strided_slice %get3A_38 {offsets = [0, 1], sizes = [10000, 1], strides = [1, 1]} : vector<10112x16xf32> to vector<10000x1xf32>
    %max3A = arith.constant 1.000000e+00 : f32
    %max3A_40 = vector.broadcast %max3A : f32 to vector<10000x1xf32>
    %max3A_41 = arith.maximumf %slice3A_39, %max3A_40 : vector<10000x1xf32>
    %div3A_42 = vector.broadcast %max3A_41 : vector<10000x1xf32> to vector<10000x128xf32>
    %div3A_43 = arith.divf %add3A_35, %div3A_42 : vector<10000x128xf32>
    %gt3A_44 = arith.constant 0.000000e+00 : f32
    %gt3A_45 = vector.broadcast %gt3A_44 : f32 to vector<10000x128xf32>
    %gt3A_46 = arith.cmpf ogt, %div3A_43, %gt3A_45 : vector<10000x128xf32>
    %exp3A_47 = math.exp %div3A_43 : vector<10000x128xf32>
    %sub3A_48 = arith.constant 1.000000e+00 : f32
    %sub3A_49 = vector.broadcast %sub3A_48 : f32 to vector<10000x128xf32>
    %sub3A_50 = arith.subf %exp3A_47, %sub3A_49 : vector<10000x128xf32>
    %select_n3A_51 = arith.select %gt3A_46, %div3A_43, %sub3A_50 : vector<10000x128xi1>, vector<10000x128xf32>
    %swap3A_52 = arith.constant 0 : index
    %swap3A_53 = arith.constant 0 : index
    %swap3A_54 = vector.load %arg7[%swap3A_52, %swap3A_53] : memref<10000x128xf32, #tpu.memory_space<vmem>>, vector<10000x128xf32>
    tpu.vector_store %arg7[%swap3A_52, %swap3A_53], %select_n3A_51 {strides = array<i32>} : memref<10000x128xf32, #tpu.memory_space<vmem>>, vector<10000x128xf32>,
    return
  }
}

</mosaic_0001>

<sc_bundles>
// kernel: kernel.5.cloned.1.call-start
scs
__scs_entry_jumppad:
0x0: {  	(pc) =	sbr.rel $0x88, $3  }
0x1: {  	(tag) =	ssettag $0x0;
	lr =	simm.s32 $0x1  }
0x2: {  	[smem:$0x3F9A] =	sst lr;
	_ =	strace $0xD0000000  }
0x3: {  	_ = 	snop  }
0x4: {  	_ = 	snop  }
0x5: {  	_ = 	snop  }
0x6: {  	_ = 	snop  }
0x7: {  	_ = 	snop  }
__scs_overlays_trampoline_lowered:
0x8: {  	[smem:$0x3FA9] =	sst s0  }
0x9: {  	[smem:$0x3FAA] =	sst s1  }
0xa: {  	[smem:$0x3FAB] =	sst s2  }
0xb: {  	[smem:$0x3FAC] =	sst s3  }
0xc: {  	[smem:$0x3FAD] =	sst s4  }
0xd: {  	[smem:$0x3FAE] =	sst s5  }
0xe: {  	[smem:$0x3FAF] =	sst s6  }
0xf: {  	[smem:$0x3FB0] =	sst s7  }
0x10: {  	[smem:$0x3FB1] =	sst s8  }
0x11: {  	[smem:$0x3FB2] =	sst s9;
	s0 =	simm.s32 @!p0 $0x0  }
0x12: {  	s1 =	sld [smem:$0x3F98];
	s0 =	simm.s32 @p0 $0x1  }
0x13: {  	[smem:$0x3FB3] =	sst s0;
	s0 =	simm.s32 @!p1 $0x0  }
0x14: {  	s2 =	sld [smem:$0x3F97];
	s0 =	simm.s32 @p1 $0x1  }
0x15: {  	[smem:$0x3FB4] =	sst s0;
	s0 =	simm.s32 @!p2 $0x0  }
0x16: {  	s3 =	sld [smem:$0x3FDB];
	s0 =	simm.s32 @p2 $0x1  }
0x17: {  	s4 =	simm.s32 $0x1BF5;
	[smem:$0x3FB6] =	sst s0  }
0x18: {  	s0 =	sld [smem:$0x3F99];
	_ =	swait.ge [sflag:s4], $0x0  }
0x19: {  	s7 =	sld [smem:$0x3F9A]  }
0x1a: {  	s8 =	sadd.s32 $0xFFFFE003, lr  }
0x1b: {  	s9 =	sadd.s32 $0xFFFFFEF7, lr;
	s5 =	simm.s32 $0xFFFFFFFF;
	p2 =	slt.u32 s8, $0xFFFFF086  }
0x1c: {  	p1 =	slt.u32 s9, $0xF7A;
	s5 =	simm.s32 @!p2 $0x0  }
0x1d: {  	s5 =	simm.s32 @p1 $0x1;
	p0 =	seq.s32 s7, s2  }
0x1e: {  	s7 =	smul.u32 @!p0 $0xF7A, s2;
	p2 =	seq.s32 @!p0 s5, $0x0  }
0x1f: {  	s9 =	smul.u32 $0xF7A, s1;
	s8 =	simm.s32 @!p0 $0x1BF5;
	p2 =	por !p2, p0  }
0x20: {  	[sflag:s8] =	ssyncset.s32 @!p0 $0xFFFFF086;
	s6 =	sadd.s32 @!p0 s3, s7;
	s7 =	simm.s32 @!p0 $0x108  }
0x21: {  	s3 =	sadd.s32 s3, s9;
	s6 =	sadd.s32 @!p0 $0x88, s6;
	s7 =	simm.s32 @p2 $0x1082  }
0x22: {  	[simem:s7], [sflag:s8] =	dma.local @!p0 [hbm:s6], $0xF7A  }
0x23: {  	s9 =	sor.u32 $0xD0000000, s2;
	s6 =	simm.s32 $0x108;
	_ =	swait.ge @!p0 [sflag:s8], $0x0  }
0x24: {  	s3 =	sadd.s32 $0x88, s3;
	s6 =	simm.s32 @!p1 $0x1082;
	[sflag:s4] =	ssyncset.s32 $0xFFFFF086  }
0x25: {  	[simem:s6], [sflag:s4] =	dma.local [hbm:s3], $0xF7A  }
0x26: {  	[smem:$0x3F9A] =	sst s1;
	(tag) =	ssettag s2;
	_ =	strace s9  }
0x27: {  	s1 =	sld [smem:$0x3FAA]  }
0x28: {  	s2 =	sld [smem:$0x3FAB]  }
0x29: {  	s4 =	sld [smem:$0x3FAD]  }
0x2a: {  	p0 =	seq.s32 s5, $0x0;
	s5 =	sld [smem:$0x3FAE]  }
0x2b: {  	s6 =	sld [smem:$0x3FAF]  }
0x2c: {  	s7 =	sld [smem:$0x3FB0]  }
0x2d: {  	s3 =	simm.s32 $0x108;
	s8 =	sld [smem:$0x3FB1]  }
0x2e: {  	s3 =	simm.s32 @!p0 $0x1082;
	s9 =	sld [smem:$0x3FB2]  }
0x2f: {  	lr =	sadd.s32 s0, s3;
	s0 =	sld [smem:$0x3FA9]  }
0x30: {  	s3 =	sld [smem:$0x3FAC]  }
0x31: {  	[smem:$0x3FB5] =	sst s10  }
0x32: {  	s10 =	sld [smem:$0x3FB3];
	_ =	sdelay $0x3  }
0x33: {  	p0 =	seq.s32 s10, $0x1;
	s10 =	sld [smem:$0x3FB5];
	_ =	sdelay $0x3  }
0x34: {  	[smem:$0x3FB5] =	sst s10  }
0x35: {  	s10 =	sld [smem:$0x3FB4];
	_ =	sdelay $0x3  }
0x36: {  	p1 =	seq.s32 s10, $0x1;
	s10 =	sld [smem:$0x3FB5];
	_ =	sdelay $0x3  }
0x37: {  	[smem:$0x3FB5] =	sst s10  }
0x38: {  	s10 =	sld [smem:$0x3FB6]  }
0x39: {  	_ = 	snop;
	(pc) =	sbr.ind lr, $3  }
0x3a: {  	_ = 	snop  }
0x3b: {  	_ = 	snop  }
0x3c: {  	p2 =	seq.s32 s10, $0x1;
	s10 =	sld [smem:$0x3FB5]  }
0x3d: {  	_ =	shalt  }
0x3e: {  	_ =	shalt  }
0x3f: {  	_ =	shalt  }
0x40: {  	_ =	shalt  }
0x41: {  	_ =	shalt  }
0x42: {  	_ =	shalt  }
0x43: {  	_ =	shalt  }
0x44: {  	_ =	shalt  }
0x45: {  	_ =	shalt  }
0x46: {  	_ =	shalt  }
0x47: {  	_ =	shalt  }
0x48: {  	_ =	shalt  }
0x49: {  	_ =	shalt  }
0x4a: {  	_ =	shalt  }
0x4b: {  	_ =	shalt  }
0x4c: {  	_ =	shalt  }
0x4d: {  	_ =	shalt  }
0x4e: {  	_ =	shalt  }
0x4f: {  	_ =	shalt  }
0x50: {  	_ =	shalt  }
0x51: {  	_ =	shalt  }
0x52: {  	_ =	shalt  }
0x53: {  	_ =	shalt  }
0x54: {  	_ =	shalt  }
0x55: {  	_ =	shalt  }
0x56: {  	_ =	shalt  }
0x57: {  	_ =	shalt  }
0x58: {  	_ =	shalt  }
0x59: {  	_ =	shalt  }
0x5a: {  	_ =	shalt  }
0x5b: {  	_ =	shalt  }
0x5c: {  	_ =	shalt  }
0x5d: {  	_ =	shalt  }
0x5e: {  	_ =	shalt  }
0x5f: {  	_ =	shalt  }
0x60: {  	_ =	shalt  }
0x61: {  	_ =	shalt  }
0x62: {  	_ =	shalt  }
0x63: {  	_ =	shalt  }
0x64: {  	_ =	shalt  }
0x65: {  	_ =	shalt  }
0x66: {  	_ =	shalt  }
0x67: {  	_ =	shalt  }
0x68: {  	_ =	shalt  }
0x69: {  	_ =	shalt  }
0x6a: {  	_ =	shalt  }
0x6b: {  	_ =	shalt  }
0x6c: {  	_ =	shalt  }
0x6d: {  	_ =	shalt  }
0x6e: {  	_ =	shalt  }
0x6f: {  	_ =	shalt  }
0x70: {  	_ =	shalt  }
0x71: {  	_ =	shalt  }
0x72: {  	_ =	shalt  }
0x73: {  	_ =	shalt  }
0x74: {  	_ =	shalt  }
0x75: {  	_ =	shalt  }
0x76: {  	_ =	shalt  }
0x77: {  	_ =	shalt  }
0x78: {  	_ =	shalt  }
0x79: {  	_ =	shalt  }
0x7a: {  	_ =	shalt  }
0x7b: {  	_ =	shalt  }
0x7c: {  	_ =	shalt  }
0x7d: {  	_ =	shalt  }
0x7e: {  	_ =	shalt  }
0x7f: {  	_ =	shalt  }
0x80: {  	_ =	shalt  }
0x81: {  	_ =	shalt  }
0x82: {  	_ =	shalt  }
0x83: {  	_ =	shalt  }
0x84: {  	_ =	shalt  }
0x85: {  	_ =	shalt  }
0x86: {  	_ =	shalt  }
0x87: {  	_ =	shalt  }
.Lfunc_end0:
.L_simem_size_0:
called_computation_lowered:
.L_overlay_start_0:
0x88: {  	s2 =	sld [smem:$0x3FD9]  }
0x89: {  	s3 =	sld [smem:$0x3FFE];
	_ =	sdelay $0x1  }
0x8a: {  	s1 =	srdreg.scid  }
0x8b: {  	s0 =	sand.u32 $0x1, s1  }
0x8c: {  	s14 =	sshll.u32 s0, $0xA;
	s2 =	sadd.s32 s3, s2  }
0x8d: {  	s2 =	sadd.s32 s2, s14  }
0x8e: {  	[smem:$0x3FC1] =	sst s2  }
0x8f: {  	_ = 	snop  }
0x90: {  	s2 =	sld [smem:$0x3FD0];
	_ =	sdelay $0x2  }
0x91: {  	s15 =	simm.s32 $0xA;
	s4 =	simm.s32 $0x10  }
0x92: {  	[smem:s4], [sflag:s15] =	dma.local [hbm:s2], $0x1  }
0x93: {  	_ =	swait.eq [sflag:s15], $0x1  }
0x94: {  	[sflag:s15] =	ssyncset.done $0x0  }
0x95: {  	s16 =	sld [smem:$0x10];
	[sflag:s15] =	ssyncadd.s32 $0xFFFFFFFF  }
0x96: {  	s17 =	sld [smem:$0x11];
	(tm) =	ssettm $0x1  }
0x97: {  	s18 =	sld [smem:$0x3FFB];
	_ =	sdelay $0x3  }
0x98: {  	_ =	strace s18  }
0x99: {  	s4 =	sld [smem:$0x3FFC];
	_ =	sdelay $0x3  }
0x9a: {  	_ =	strace s4  }
0x9b: {  	s4 =	sld [smem:$0x3FFD];
	_ =	sdelay $0x3  }
0x9c: {  	_ =	strace s4  }
0x9d: {  	_ =	strace $0x8FFFFFFF  }
0x9e: {  	s19 =	sld [smem:$0x3FDB];
	_ =	sdelay $0x1  }
0x9f: {  	s5 =	simm.s32 $_scs_section_size  }
0xa0: {  	s6 =	simm.s32 $_size__tile_overlayer_lowered;
	s7 =	simm.s32 $_tile_overlayer_lowered  }
0xa1: {  	s22 =	simm.s32 $0x1BFF;
	s21 =	sshll.u32 s7, $0x1;
	s4 =	sadd.s32 s5, s19  }
0xa2: {  	s8 =	simm.s32 $0x0;
	s20 =	sshll.u32 s6, $0x1;
	s6 =	sadd.s32 s21, s4  }
0xa3: {  	[timem:s8], [sflag:s22] =	dma.local [hbm:s6], s20  }
0xa4: {  	_ =	swait.ge [sflag:s22], s20  }
0xa5: {  	s5 =	ssub.s32 $0x0, s20;
	[sflag:s22] =	ssyncset.done $0x0  }
0xa6: {  	[sflag:s22] =	ssyncadd.s32 s5;
	_ =	sdelay $0x1  }
0xa7: {  	s23 =	simm.s32 $0x1B8B  }
0xa8: {  	_ =	swait.ge [sflag:s23], $0x1  }
0xa9: {  	[sflag:s23] =	ssyncset.done $0x0  }
0xaa: {  	s25 =	simm.s32 $0x1B8E;
	s24 =	sld [smem:$0x3FFE];
	[sflag:s23] =	ssyncadd.s32 $0xFFFFFFFF  }
0xab: {  	s26 =	simm.s32 $execute0_lowered;
	[smem:$0x3FD2] =	sst s25  }
0xac: {  	s6 =	sshll.u32 s26, $0x1;
	_ =	strace $0x80000046;
	[dreg:$0x1] =	wrdreg $0xFFFFFFFF  }
0xad: {  	s28 =	simm.s32 $_size_execute0_lowered;
	s4 =	sadd.s32 s4, s6;
	[dreg:$0x0] =	wrdreg $0x0  }
0xae: {  	s6 =	sshll.u32 s28, $0x1;
	[dreg:$0x2] =	wrdreg s4  }
0xaf: {  	[dreg:$0x3] =	wrdreg s6  }
0xb0: {  	[dreg:$0x4] =	wrdreg $0xC0  }
0xb1: {  	_ =	task [dreg:s8], $0x5FFFF  }
0xb2: {  	[dreg:$0x1] =	wrdreg $0xFFFFFFFF  }
0xb3: {  	[dreg:$0x0] =	wrdreg $0x60  }
0xb4: {  	[dreg:$0x2] =	wrdreg s17  }
0xb5: {  	[dreg:$0x3] =	wrdreg s16  }
0xb6: {  	[dreg:$0x4] =	wrdreg s24  }
0xb7: {  	[dreg:$0x5] =	wrdreg $0x8E800  }
0xb8: {  	[dreg:$0x6] =	wrdreg $0x1CA800  }
0xb9: {  	[dreg:$0x7] =	wrdreg $0x9  }
0xba: {  	_ =	task.clear_ibuf [dreg:s8], $0x8FFFF;
	_ =	strace $0x90000046  }
0xbb: {  	s29 =	simm.s32 $0x9;
	_ =	strace $0x80000048  }
0xbc: {  	_ =	swait.ge [sflag:s29], $0x1  }
0xbd: {  	[sflag:s29] =	ssyncadd.s32 $0xFFFFFFFF  }
0xbe: {  	_ =	strace $0x90000048  }
0xbf: {  	_ =	sfence  }
0xc0: {  	s30 =	sld [smem:$0x0];
	_ =	sdelay $0x2  }
0xc1: {  	s31 =	sshll.u32 s1, $0xD;
	s1 =	sshrl.u32 s1, $0x2  }
0xc2: {  	s3 =	sand.u32 $0x4000, s31;
	s1 =	sadd.s32 s1, s30  }
0xc3: {  	s0 =	sor.u32 s3, s0;
	s1 =	sshll.u32 s1, $0x11  }
0xc4: {  	s0 =	sor.u32 s1, s0  }
0xc5: {  	s0 =	sadd.s32 $0x8F2B, s0  }
0xc6: {  	[sflag:s0] =	ssyncadd.remote.s32 $0x1  }
0xc7: {  	_ =	sfence.sel $0xFFFF  }
0xc8: {  	[dreg:$0x0] =	wrdreg $0xFFFFFFFF;
	(pc) =	sbr.abs _section_cstart, $3  }
0xc9: {  	[dreg:$0x1] =	wrdreg $0xFFFFFFFF  }
0xca: {  	_ =	task.clear_ibuf [dreg:s8], $0x2FFFF;
	_ =	strace $0x9FFFFFFF  }
0xcb: {  	(tm) =	ssettm $0x7FFFFFFF  }
tec
execute0_lowered:
.L_overlay_start_1:
0x0: {  	(tag) =	ssettag $0x1  }
0x1: {  	s5 =	rddreg [dreg:$0x0]  }
0x2: {  	s9 =	rddreg [dreg:$0x1]  }
0x3: {  	s0 =	rddreg [dreg:$0x2]  }
0x4: {  	s10 =	rddreg [dreg:$0x3]  }
0x5: {  	s14 =	rddreg [dreg:$0x4];
	s1 =	simm.s32 $0x0  }
0x6: {  	s19 =	srdreg.scid;
	s15 =	stileid.u32;
	s31 =	simm.s32 $0x280  }
0x7: {  	s28 =	simm.s32 $0x6;
	[smem:$0x7FF] =	sst s1;
	s6 =	sadd.s32 $0x79A00, s0  }
0x8: {  	s7 =	sadd.s32 $0x3200, s0;
	s8 =	sadd.s32 $0x52200, s0;
	s18 =	sadd.s32 $0x2AA00, s0  }
0x9: {  	s2 =	sadd.s32 $0x89C00, s0;
	_ =	strace $0x80000047;
	[dreg:$0x6] =	wrdreg s18  }
0xa: {  	s11 =	sadd.s32 $0x7EA00, s0;
	s21 =	sadd.s32 $0x7FC00, s0;
	[dreg:$0x8] =	wrdreg s2  }
0xb: {  	s12 =	sadd.s32 $0x7F000, s0;
	s3 =	sadd.s32 $0xB1400, s0;
	[dreg:$0x9] =	wrdreg s21  }
0xc: {  	s13 =	sadd.s32 $0x7F600, s0;
	s0 =	sadd.s32 $0x84C00, s0;
	[dreg:$0xa] =	wrdreg s3  }
0xd: {  	s16 =	sand.u32 $0x1, s19;
	s20 =	smul.u32 $0x278, s15;
	[dreg:$0xb] =	wrdreg s0  }
0xe: {  	s17 =	smul.u32 $0x2800, s15;
	s22 =	ssub.s32 $0x2, s16;
	[dreg:$0x7] =	wrdreg s16  }
0xf: {  	p0 =	sne.s32 s16, $0x0;
	s23 =	sshrl.u32 s22, $0x1;
	s4 =	sadd.s32 $0x80, s20  }
0x10: {  	s26 =	sadd.s32 $0x100, s20;
	s1 =	sadd.s32 $0x200, s20;
	s19 =	sshrl.u32 s17, $0x3  }
0x11: {  	s0 =	ssub.s32 s22, s23;
	s24 =	sshll.u32 s4, $0x7;
	s21 =	sadd.s32 s9, s19  }
0x12: {  	s3 =	sshll.u32 s26, $0x4;
	s22 =	sadd.s32 s6, s19;
	[dreg:$0x15] =	wrdreg s21  }
0x13: {  	s18 =	sshll.u32 s1, $0x7;
	s2 =	sadd.s32 s24, s10;
	[dreg:$0x16] =	wrdreg s22  }
0x14: {  	s1 =	sshll.u32 s1, $0x4;
	s30 =	sadd.s32 s3, s14;
	[dreg:$0xc] =	wrdreg s2  }
0x15: {  	s16 =	simm.s32 $0x0;
	s1 =	sadd.s32 s1, s14;
	[dreg:$0xf] =	wrdreg s30  }
0x16: {  	s3 =	sadd.s32 $0x180, s20;
	s20 =	sadd.s32 s5, s19;
	[dreg:$0x13] =	wrdreg s1  }
0x17: {  	s25 =	sshll.u32 s4, $0x4;
	s0 =	smax.u32 s0, $0x1;
	[dreg:$0x14] =	wrdreg s20  }
0x18: {  	s23 =	sor.u32 $0x10, s19;
	s2 =	sadd.s32 s25, s14;
	[smem:$0x7FD] =	sst s0  }
0x19: {  	s29 =	sshll.u32 s26, $0x7;
	s25 =	sadd.s32 s9, s23;
	[dreg:$0xd] =	wrdreg s2  }
0x1a: {  	s26 =	smul.u32 $0x2780, s15;
	s1 =	sadd.s32 s6, s23;
	[dreg:$0x18] =	wrdreg s25  }
0x1b: {  	s24 =	smul.u32 $0x13C00, s15;
	s30 =	sor.u32 $0x180, s17;
	[dreg:$0x19] =	wrdreg s1  }
0x1c: {  	s15 =	simm.s32 $0x3;
	s2 =	sadd.s32 s29, s10;
	[dreg:$0x1b] =	wrdreg s30  }
0x1d: {  	s19 =	simm.s32 $0x8B00;
	s29 =	sor.u32 $0x100, s17;
	[dreg:$0xe] =	wrdreg s2  }
0x1e: {  	s4 =	sshll.u32 s3, $0x7;
	s1 =	sshrl.u32 s26, $0x3;
	[dreg:$0x1a] =	wrdreg s29  }
0x1f: {  	s2 =	sshll.u32 s3, $0x4;
	s3 =	sadd.s32 s4, s10;
	[dreg:$0x1f] =	wrdreg s1  }
0x20: {  	s0 =	simm.s32 $0x5;
	s4 =	sadd.s32 s26, s14;
	[dreg:$0x10] =	wrdreg s3  }
0x21: {  	s9 =	simm.s32 $0x2;
	s2 =	sadd.s32 s2, s14;
	[dreg:$0x1e] =	wrdreg s4  }
.Ltmp0:
0x22: {  	s3 =	sadd.s32 s5, s23;
	[dreg:$0x11] =	wrdreg s2;
	(pc) =	sbr.rel .LBB2_1-.Ltmp0, $4  }
0x23: {  	s25 =	simm.s32 $0x80;
	s5 =	sadd.s32 s24, s10;
	[dreg:$0x17] =	wrdreg s3  }
0x24: {  	s26 =	simm.s32 $0x4;
	s2 =	sadd.s32 s18, s10;
	[dreg:$0x1c] =	wrdreg s5  }
0x25: {  	v0 =	vimm.f32 $0.0e+00;
	vm0 =	vcmask $0x704;
	s23 =	simm.s32 $0x7;
	[dreg:$0x12] =	wrdreg s2;
	s2 =	sshrl.u32 s24, $0x3  }
0x26: {  	v1 =	vsel vm0, $0x3F800000, v0;
	vm0 =	vmmov $0x1;
	s14 =	simm.s32 $0x200;
	s10 =	simm.s32 $0x180;
	[dreg:$0x1d] =	wrdreg s2  }
.LBB2_16:
0x27: {  	s2 =	rddreg [dreg:$0xa]  }
0x28: {  	s1 =	rddreg [dreg:$0xb]  }
0x29: {  	s16 =	sld [smem:$0x7FC]  }
.LBB2_17:
0x2a: {  	s3 =	rddreg [dreg:$0x1d];
	s22 =	stileid.u32;
	[bflag:$0x0] =	sbarrier.arrive $0xFFFF  }
0x2b: {  	s2 =	sadd.s32 s2, s3;
	s3 =	sshll.u32 s22, $0x6;
	s5 =	rddreg [dreg:$0x1c]  }
0x2c: {  	s3 =	sor.u32 $0x1C07, s3;
	s4 =	sshrl.u32 s5, $0x3  }
0x2d: {  	[hbm:s2], [sflag:s3] =	dma.local [spmem:s4], $0x2780  }
0x2e: {  	_ =	swait.ge [sflag:s23], $0x2780  }
0x2f: {  	s24 =	rddreg [dreg:$0x1f]  }
0x30: {  	[sflag:s23] =	ssyncset.done $0x0;
	s4 =	rddreg [dreg:$0x1e]  }
0x31: {  	s1 =	sadd.s32 s1, s24;
	[sflag:s23] =	ssyncadd.s32 $0xFFFFD880;
	s29 =	sshrl.u32 s4, $0x3  }
0x32: {  	[hbm:s1], [sflag:s3] =	dma.local [spmem:s29], $0x4F0  }
0x33: {  	_ =	swait.ge [sflag:s23], $0x4F0  }
0x34: {  	s30 =	sld [smem:$0x7FD];
	_ =	sdelay $0x1  }
0x35: {  	s16 =	sadd.s32 $0x1, s16  }
0x36: {  	p1 =	sne.s32 s16, s30  }
.Ltmp1:
0x37: {  	_ = 	snop;
	(pc) =	sbr.rel @!p1 .LBB2_18-.Ltmp1, $3  }
0x38: {  	_ =	sdelay $0x1  }
0x39: {  	[sflag:s23] =	ssyncset.done $0x0  }
0x3a: {  	[sflag:s23] =	ssyncadd.s32 $0xFFFFFB10  }
.LBB2_1:
0x3b: {  	s1 =	simm.s32 $0x340  }
0x3c: {  	[tilespmem:s1+$0xFFFFFFD0] =	vst v0  }
0x3d: {  	[tilespmem:s1+$0xFFFFFFE0] =	vst v0  }
0x3e: {  	[tilespmem:s1+$0xFFFFFFF0] =	vst v0  }
0x3f: {  	[tilespmem:s1+$0x0] =	vst v0  }
0x40: {  	[tilespmem:s1+$0x10] =	vst v0  }
0x41: {  	[tilespmem:s1+$0x20] =	vst v0  }
0x42: {  	[tilespmem:s1+$0x30] =	vst v0  }
0x43: {  	[smem:$0x7FC] =	sst s16;
	s3 =	simm.s32 $0x0;
	s2 =	simm.s32 $0x40;
	[tilespmem:s1+$0xFFFFFFC0] =	vst v0  }
.LBB2_2:
0x44: {  	p1 =	sne.s32 s2, $0x1FC0;
	[tilespmem:s3+$0x8300] =	vst v0;
	s1 =	sadd.s32 $0x80, s1  }
0x45: {  	[tilespmem:s1+$0xFFFFFFD0] =	vst v0  }
0x46: {  	[tilespmem:s1+$0xFFFFFFE0] =	vst v0  }
0x47: {  	[tilespmem:s1+$0xFFFFFFF0] =	vst v0  }
.Ltmp2:
0x48: {  	[tilespmem:s1+$0x0] =	vst v0;
	(pc) =	sbr.rel @p1 .LBB2_2-.Ltmp2, $4  }
0x49: {  	[tilespmem:s1+$0x10] =	vst v0  }
0x4a: {  	[tilespmem:s1+$0x20] =	vst v0  }
0x4b: {  	[tilespmem:s1+$0x30] =	vst v0  }
0x4c: {  	s3 =	sshra.s32 s2, $0x2;
	s2 =	sadd.s32 $0x40, s2;
	[tilespmem:s1+$0xFFFFFFC0] =	vst v0  }
0x4d: {  	[tilespmem:s3+$0x8300] =	vst v0;
	s2 =	simm.s32 $0x300  }
0x4e: {  	[spmem:s5] =	stream.linear.scatter [tilespmem:s2], [sflag:$0x7], $0x4000, $0x38;
	[tilespmem:$0x1F200] =	vst v63  }
0x4f: {  	_ =	swait.ge [sflag:s23], $0x4000  }
0x50: {  	[sflag:s23] =	ssyncset.done $0x0  }
0x51: {  	s16 =	simm.s32 $0x8300;
	[sflag:s23] =	ssyncadd.s32 $0xFFFFC000  }
0x52: {  	[spmem:s4] =	stream.linear.scatter [tilespmem:s16], [sflag:$0x7], $0x800, $0x38;
	[tilespmem:$0x1F200] =	vst v63  }
0x53: {  	_ =	swait.ge [sflag:s23], $0x800  }
0x54: {  	[sflag:s23] =	ssyncset.done $0x0  }
0x55: {  	s1 =	rddreg [dreg:$0xc];
	[sflag:s23] =	ssyncadd.s32 $0xFFFFF800  }
0x56: {  	[spmem:s1] =	stream.linear.scatter [tilespmem:s2], [sflag:$0x7], $0x4000, $0x38;
	[tilespmem:$0x1F200] =	vst v63  }
0x57: {  	_ =	swait.ge [sflag:s23], $0x4000  }
0x58: {  	[sflag:s23] =	ssyncset.done $0x0  }
0x59: {  	s17 =	rddreg [dreg:$0xd];
	[sflag:s23] =	ssyncadd.s32 $0xFFFFC000  }
0x5a: {  	[spmem:s17] =	stream.linear.scatter [tilespmem:s16], [sflag:$0x7], $0x800, $0x38;
	[tilespmem:$0x1F200] =	vst v63  }
0x5b: {  	_ =	swait.ge [sflag:s23], $0x800  }
0x5c: {  	[sflag:s23] =	ssyncset.done $0x0  }
0x5d: {  	s18 =	rddreg [dreg:$0xe];
	[sflag:s23] =	ssyncadd.s32 $0xFFFFF800  }
0x5e: {  	[spmem:s18] =	stream.linear.scatter [tilespmem:s2], [sflag:$0x7], $0x4000, $0x38;
	[tilespmem:$0x1F200] =	vst v63  }
0x5f: {  	_ =	swait.ge [sflag:s23], $0x4000  }
0x60: {  	[sflag:s23] =	ssyncset.done $0x0  }
0x61: {  	s20 =	rddreg [dreg:$0xf];
	[sflag:s23] =	ssyncadd.s32 $0xFFFFC000  }
0x62: {  	[spmem:s20] =	stream.linear.scatter [tilespmem:s16], [sflag:$0x7], $0x800, $0x38;
	[tilespmem:$0x1F200] =	vst v63  }
0x63: {  	_ =	swait.ge [sflag:s23], $0x800  }
0x64: {  	[sflag:s23] =	ssyncset.done $0x0  }
0x65: {  	s21 =	rddreg [dreg:$0x10];
	[sflag:s23] =	ssyncadd.s32 $0xFFFFF800  }
0x66: {  	[spmem:s21] =	stream.linear.scatter [tilespmem:s2], [sflag:$0x7], $0x4000, $0x38;
	[tilespmem:$0x1F200] =	vst v63  }
0x67: {  	_ =	swait.ge [sflag:s23], $0x4000  }
0x68: {  	[sflag:s23] =	ssyncset.done $0x0  }
0x69: {  	s22 =	rddreg [dreg:$0x11];
	[sflag:s23] =	ssyncadd.s32 $0xFFFFC000  }
0x6a: {  	[spmem:s22] =	stream.linear.scatter [tilespmem:s16], [sflag:$0x7], $0x800, $0x38;
	[tilespmem:$0x1F200] =	vst v63  }
0x6b: {  	_ =	swait.ge [sflag:s23], $0x800  }
0x6c: {  	[sflag:s23] =	ssyncset.done $0x0  }
0x6d: {  	s24 =	rddreg [dreg:$0x12];
	[sflag:s23] =	ssyncadd.s32 $0xFFFFF800  }
0x6e: {  	[spmem:s24] =	stream.linear.scatter [tilespmem:s2], [sflag:$0x7], $0x3C00, $0x38;
	[tilespmem:$0x1F200] =	vst v63  }
0x6f: {  	_ =	swait.ge [sflag:s23], $0x3C00  }
0x70: {  	[sflag:s23] =	ssyncset.done $0x0  }
0x71: {  	s29 =	rddreg [dreg:$0x13];
	[sflag:s23] =	ssyncadd.s32 $0xFFFFC400  }
0x72: {  	[spmem:s29] =	stream.linear.scatter [tilespmem:s16], [sflag:$0x7], $0x780, $0x38;
	[tilespmem:$0x1F200] =	vst v63  }
0x73: {  	_ =	swait.ge [sflag:s23], $0x780  }
0x74: {  	[sflag:s23] =	ssyncset.done $0x0  }
0x75: {  	[sflag:s23] =	ssyncadd.s32 $0xFFFFF880  }
0x76: {  	[bflag:$0x0] =	sbarrier.arrive $0xFFFF  }
0x77: {  	s30 =	simm.s32 $0x0;
	s3 =	rddreg [dreg:$0x14]  }
0x78: {  	[tilespmem:s30], [sflag:$0x1] =	stream.linear.gather [hbm4b:s3+s30], $0x80, $0x38;
	[tilespmem:$0x1F200] =	vst v63  }
0x79: {  	s4 =	rddreg [dreg:$0x15]  }
0x7a: {  	[tilespmem:s25], [sflag:$0x1] =	stream.linear.gather [hbm4b:s4+s30], $0x80, $0x38;
	[tilespmem:$0x1F200] =	vst v63  }
0x7b: {  	s17 =	simm.s32 $0x1;
	s16 =	simm.s32 $0x100;
	s5 =	rddreg [dreg:$0x16]  }
0x7c: {  	[tilespmem:s16], [sflag:$0x1] =	stream.linear.gather [hbm4b:s5+s30], $0x80, $0x38;
	[tilespmem:$0x1F200] =	vst v63  }
0x7d: {  	_ =	swait.ge [sflag:s17], $0x80  }
0x7e: {  	[sflag:s17] =	ssyncset.done $0x0  }
0x7f: {  	[sflag:s17] =	ssyncadd.s32 $0xFFFFFF80  }
0x80: {  	_ =	swait.ge [sflag:s17], $0x80  }
0x81: {  	[sflag:s17] =	ssyncset.done $0x0  }
0x82: {  	[sflag:s17] =	ssyncadd.s32 $0xFFFFFF80  }
0x83: {  	_ =	swait.ge [sflag:s17], $0x80  }
0x84: {  	[sflag:s17] =	ssyncset.done $0x0  }
0x85: {  	s18 =	simm.s32 $0x8B80;
	[sflag:s17] =	ssyncadd.s32 $0xFFFFFF80  }
0x86: {  	[tilespmem:s18], [sflag:$0x3] =	stream.indirect.gather [hbm4b:s11+s25], $0x1, s30, s25, $0xb8;
	[tilespmem:$0x1F200] =	vst v63  }
0x87: {  	s20 =	simm.s32 $0x8C00  }
0x88: {  	[tilespmem:s20], [sflag:$0x3] =	stream.indirect.gather [hbm4b:s12+s25], $0x1, s25, s25, $0xb8;
	[tilespmem:$0x1F200] =	vst v63  }
0x89: {  	s21 =	simm.s32 $0x8C80  }
0x8a: {  	[tilespmem:s21], [sflag:$0x3] =	stream.indirect.gather [hbm4b:s13+s25], $0x1, s16, s25, $0xb8;
	[tilespmem:$0x1F200] =	vst v63  }
0x8b: {  	s1 =	simm.s32 @p0 $0x0;
	s2 =	simm.s32 @p0 $0x300;
	s3 =	simm.s32 @p0 $0x80  }
0x8c: {  	[tilespmem:s2], [sflag:$0x5] =	stream.indirect.gather @p0 [hbm4b:s7+s3], $0x80, s1, s3, $0xb8;
	[tilespmem:$0x1F200] =	vst v63  }
0x8d: {  	s1 =	simm.s32 @p0 $0x5  }
0x8e: {  	_ =	swait.ge @p0 [sflag:s1], $0x4000  }
0x8f: {  	[sflag:s1] =	ssyncset.done @p0 $0x0  }
0x90: {  	[sflag:s1] =	ssyncadd.s32 @p0 $0xFFFFC000  }
0x91: {  	[tilespmem:s2], [sflag:$0x5] =	stream.indirect.gather.add.f32 @p0 [hbm:s8], $0x80, s3, s3, $0xb8;
	[tilespmem:$0x1F200] =	vst v63  }
0x92: {  	s4 =	simm.s32 @!p0 $0x80;
	s1 =	simm.s32 @!p0 $0x300;
	s2 =	simm.s32 @!p0 $0x5  }
0x93: {  	[tilespmem:s1], [sflag:$0x5] =	stream.indirect.gather @!p0 [hbm4b:s8+s4], $0x80, s4, s4, $0xb8;
	[tilespmem:$0x1F200] =	vst v63  }
0x94: {  	_ =	swait.ge @!p0 [sflag:s2], $0x4000  }
0x95: {  	[sflag:s2] =	ssyncset.done @!p0 $0x0  }
0x96: {  	s3 =	rddreg [dreg:$0x6];
	[sflag:s2] =	ssyncadd.s32 @!p0 $0xFFFFC000;
	s2 =	simm.s32 @!p0 $0x100  }
0x97: {  	[tilespmem:s1], [sflag:$0x5] =	stream.indirect.gather.add.f32 @!p0 [hbm:s3], $0x80, s2, s4, $0xb8;
	[tilespmem:$0x1F200] =	vst v63  }
0x98: {  	s22 =	simm.s32 $0x0;
	s24 =	rddreg [dreg:$0x17]  }
0x99: {  	[tilespmem:s10], [sflag:$0x2] =	stream.linear.gather [hbm4b:s24+s22], $0x80, $0x38;
	[tilespmem:$0x1F200] =	vst v63  }
.Ltmp3:
0x9a: {  	_ = 	snop;
	(pc) =	sbr.rel .LBB2_4-.Ltmp3, $4  }
0x9b: {  	s29 =	rddreg [dreg:$0x18]  }
0x9c: {  	[tilespmem:s14], [sflag:$0x2] =	stream.linear.gather [hbm4b:s29+s22], $0x80, $0x38;
	[tilespmem:$0x1F200] =	vst v63  }
0x9d: {  	s21 =	simm.s32 $0x0;
	s30 =	rddreg [dreg:$0x19]  }
0x9e: {  	[tilespmem:s31], [sflag:$0x2] =	stream.linear.gather [hbm4b:s30+s22], $0x80, $0x38;
	[tilespmem:$0x1F200] =	vst v63  }
.LBB2_14:
0x9f: {  	s1 =	simm.s32 $0x300  }
0xa0: {  	[tilespmem:s1], [sflag:$0x5] =	stream.indirect.gather.add.f32 [hbm:s8], $0x80, s25, s25, $0xb8;
	[tilespmem:$0x1F200] =	vst v63  }
.LBB2_15:
0xa1: {  	s1 =	rddreg [dreg:$0x3];
	s2 =	simm.s32 $0x4300  }
0xa2: {  	[spmem:s1] =	stream.indirect.scatter.add.f32 [tilespmem:s2], [sflag:$0x7], $0x80, s31, s25, $0xb8;
	[tilespmem:$0x1F200] =	vst v63  }
0xa3: {  	_ =	swait.ge [sflag:s23], $0x4000  }
0xa4: {  	[sflag:s23] =	ssyncset.done $0x0  }
0xa5: {  	[sflag:s23] =	ssyncadd.s32 $0xFFFFC000  }
.Ltmp4:
0xa6: {  	s30 =	simm.s32 $0x8300;
	s29 =	rddreg [dreg:$0x4];
	(pc) =	sbr.rel @p1 .LBB2_16-.Ltmp4, $4  }
0xa7: {  	[spmem:s29] =	stream.indirect.scatter.add.f32 [tilespmem:s30], [sflag:$0x7], $0x10, s31, s25, $0xb8;
	[tilespmem:$0x1F200] =	vst v63  }
0xa8: {  	_ =	swait.ge [sflag:s23], $0x800  }
0xa9: {  	[sflag:s23] =	ssyncset.done $0x0  }
0xaa: {  	[sflag:s23] =	ssyncadd.s32 $0xFFFFF800  }
.LBB2_19:
0xab: {  	s1 =	rddreg [dreg:$0x1b]  }
0xac: {  	s1 =	sadd.s32 s18, s1  }
0xad: {  	s2 =	rddreg [dreg:$0x0];
	s1 =	sshrl.u32 s1, $0x3  }
0xae: {  	s3 =	simm.s32 $0x0;
	s30 =	rddreg [dreg:$0x1];
	s2 =	sadd.s32 s2, s1  }
0xaf: {  	[tilespmem:s10], [sflag:$0x2] =	stream.linear.gather [hbm4b:s2+s3], $0x80, $0x38;
	[tilespmem:$0x1F200] =	vst v63  }
0xb0: {  	s2 =	sadd.s32 s30, s1  }
0xb1: {  	[tilespmem:s14], [sflag:$0x2] =	stream.linear.gather [hbm4b:s2+s3], $0x80, $0x38;
	[tilespmem:$0x1F200] =	vst v63  }
0xb2: {  	s21 =	sadd.s32 $0x1, s21;
	s1 =	sadd.s32 s6, s1  }
0xb3: {  	[tilespmem:s31], [sflag:$0x2] =	stream.linear.gather [hbm4b:s1+s3], $0x80, $0x38;
	[tilespmem:$0x1F200] =	vst v63  }
.LBB2_4:
0xb4: {  	_ =	swait.ge [sflag:s0], $0x4000  }
0xb5: {  	[sflag:s0] =	ssyncset.done $0x0  }
0xb6: {  	[sflag:s0] =	ssyncadd.s32 $0xFFFFC000  }
0xb7: {  	_ =	swait.ge [sflag:s15], $0x80  }
0xb8: {  	[sflag:s15] =	ssyncset.done $0x0  }
0xb9: {  	[sflag:s15] =	ssyncadd.s32 $0xFFFFFF80  }
0xba: {  	_ =	swait.ge [sflag:s15], $0x80  }
0xbb: {  	[sflag:s15] =	ssyncset.done $0x0  }
0xbc: {  	[sflag:s15] =	ssyncadd.s32 $0xFFFFFF80  }
0xbd: {  	_ =	swait.ge [sflag:s15], $0x80  }
0xbe: {  	[sflag:s15] =	ssyncset.done $0x0  }
0xbf: {  	[sflag:s15] =	ssyncadd.s32 $0xFFFFFF80  }
0xc0: {  	v2 =	vld [tilespmem:$0x8B80]  }
0xc1: {  	v3 =	vld [tilespmem:$0x8C00]  }
0xc2: {  	v4 =	vld [tilespmem:$0x8C80]  }
0xc3: {  	v5 =	vld [tilespmem:$0x8B90]  }
0xc4: {  	v6 =	vld [tilespmem:$0x8C10]  }
0xc5: {  	v7 =	vld [tilespmem:$0x8C90]  }
0xc6: {  	v8 =	vld [tilespmem:$0x8BA0]  }
0xc7: {  	v9 =	vld [tilespmem:$0x8C20]  }
0xc8: {  	v10 =	vld [tilespmem:$0x8CA0]  }
0xc9: {  	v11 =	vld [tilespmem:$0x8BB0]  }
0xca: {  	v12 =	vld [tilespmem:$0x8C30]  }
0xcb: {  	v13 =	vld [tilespmem:$0x8CB0]  }
0xcc: {  	v14 =	vld [tilespmem:$0x8BC0]  }
0xcd: {  	v16 =	vld [tilespmem:$0x8CD0];
	v2 =	vadd.f32 v3, v2  }
0xce: {  	v63 =	vld [tilespmem:$0x8C70];
	v5 =	vadd.f32 v6, v5  }
0xcf: {  	v3 =	vld [tilespmem:$0x8C40];
	v2 =	vadd.f32 v4, v2  }
0xd0: {  	v6 =	vld [tilespmem:$0x8CC0];
	v5 =	vadd.f32 v7, v5  }
0xd1: {  	v8 =	vadd.f32 v9, v8;
	v9 =	vld [tilespmem:$0x8BE0];
	v15 =	vmul.f32 $9.999999770e-03, v2  }
0xd2: {  	v4 =	vld [tilespmem:$0x8BD0];
	v17 =	vmul.f32 $9.999999770e-03, v5  }
0xd3: {  	v7 =	vld [tilespmem:$0x8C50];
	v2 =	vmax.f32 v2, v15  }
0xd4: {  	v8 =	vadd.f32 v10, v8;
	v15 =	vld [tilespmem:$0x8C60];
	v5 =	vmax.f32 v5, v17;
	v2 =	vmul.f32 $1.442695020e+00, v2  }
0xd5: {  	v10 =	vld [tilespmem:$0x8BF0];
	v5 =	vmul.f32 $1.442695020e+00, v5  }
0xd6: {  	v11 =	vadd.f32 v12, v11;
	v12 =	vld [tilespmem:$0x8CE0];
	(erf) = vpow2.f32 v2;
	v2 =	vmul.f32 $9.999999770e-03, v8  }
0xd7: {  	v3 =	vadd.f32 v3, v14;
	(erf) = vpow2.f32 v5;
	v5 =	vld [tilespmem:$0x8CF0]  }
0xd8: {  	v4 =	vadd.f32 v7, v4;
	v2 =	vmax.f32 v8, v2;
	v8 =	vadd.f32 v13, v11  }
0xd9: {  	v3 =	vadd.f32 v6, v3;
	v6 =	vadd.f32 v15, v9;
	v2 =	vmul.f32 $1.442695020e+00, v2  }
0xda: {  	v4 =	vadd.f32 v16, v4;
	v9 =	vadd.f32 v63, v10;
	v7 =	vmul.f32 $9.999999770e-03, v8  }
0xdb: {  	v6 =	vadd.f32 v12, v6;
	(erf) = vpow2.f32 v2;
	v2 =	vmul.f32 $9.999999770e-03, v3  }
0xdc: {  	v7 =	vmax.f32 v8, v7;
	v8 =	vmul.f32 $9.999999770e-03, v4;
	v5 =	vadd.f32 v5, v9  }
0xdd: {  	v7 =	vmul.f32 $1.442695020e+00, v7;
	v2 =	vmax.f32 v3, v2;
	v3 =	vmul.f32 $9.999999770e-03, v6  }
0xde: {  	v2 =	vmul.f32 $1.442695020e+00, v2;
	v4 =	vmax.f32 v4, v8;
	v8 =	vmul.f32 $9.999999770e-03, v5  }
0xdf: {  	(erf) = vpow2.f32 v7;
	v4 =	vmul.f32 $1.442695020e+00, v4;
	v3 =	vmax.f32 v6, v3  }
0xe0: {  	(erf) = vpow2.f32 v2;
	v2 =	vmul.f32 $1.442695020e+00, v3;
	v3 =	vmax.f32 v5, v8  }
0xe1: {  	(erf) = vpow2.f32 v4;
	v3 =	vmul.f32 $1.442695020e+00, v3  }
0xe2: {  	(erf) = vpow2.f32 v2  }
0xe3: {  	(erf) = vpow2.f32 v3;
	_ =	sdelay $0x1  }
0xe4: {  	v2 =	vpop (erf)  }
0xe5: {  	v3 =	vpop (erf);
	[tilespmem:$0x8B00] =	vst v2  }
0xe6: {  	v2 =	vpop (erf);
	[tilespmem:$0x8B10] =	vst v3  }
0xe7: {  	[tilespmem:$0x8B20] =	vst v2;
	v3 =	vpop (erf)  }
0xe8: {  	v2 =	vpop (erf);
	[tilespmem:$0x8B30] =	vst v3  }
0xe9: {  	v3 =	vpop (erf);
	[tilespmem:$0x8B40] =	vst v2  }
0xea: {  	v2 =	vpop (erf);
	[tilespmem:$0x8B50] =	vst v3  }
0xeb: {  	[tilespmem:$0x8B60] =	vst v2;
	v2 =	vpop (erf)  }
0xec: {  	[tilespmem:$0x8B70] =	vst v2  }
0xed: {  	_ =	swait.ge [sflag:s9], $0x80  }
0xee: {  	[sflag:s9] =	ssyncset.done $0x0  }
0xef: {  	[sflag:s9] =	ssyncadd.s32 $0xFFFFFF80  }
0xf0: {  	_ =	swait.ge [sflag:s9], $0x80  }
0xf1: {  	[sflag:s9] =	ssyncset.done $0x0  }
0xf2: {  	[sflag:s9] =	ssyncadd.s32 $0xFFFFFF80  }
0xf3: {  	_ =	swait.ge [sflag:s9], $0x80  }
0xf4: {  	[sflag:s9] =	ssyncset.done $0x0  }
0xf5: {  	s1 =	simm.s32 $0x8D00;
	[sflag:s9] =	ssyncadd.s32 $0xFFFFFF80  }
0xf6: {  	[tilespmem:s1], [sflag:$0x4] =	stream.indirect.gather [hbm4b:s11+s25], $0x1, s10, s25, $0xb8;
	[tilespmem:$0x1F200] =	vst v63  }
0xf7: {  	s22 =	simm.s32 $0x8D80  }
0xf8: {  	[tilespmem:s22], [sflag:$0x4] =	stream.indirect.gather [hbm4b:s12+s25], $0x1, s14, s25, $0xb8;
	[tilespmem:$0x1F200] =	vst v63  }
0xf9: {  	s24 =	simm.s32 $0x8E00;
	s2 =	simm.s32 @p0 $0x4300;
	s3 =	simm.s32 @p0 $0x80  }
0xfa: {  	[tilespmem:s24], [sflag:$0x4] =	stream.indirect.gather [hbm4b:s13+s25], $0x1, s31, s25, $0xb8;
	[tilespmem:$0x1F200] =	vst v63  }
0xfb: {  	s29 =	simm.s32 $0x0;
	s16 =	simm.s32 $0x340;
	s1 =	simm.s32 @p0 $0x180  }
0xfc: {  	v2 =	vmov s29;
	[tilespmem:s2], [sflag:$0x6] =	stream.indirect.gather @p0 [hbm4b:s7+s3], $0x80, s1, s3, $0xb8;
	[tilespmem:$0x1F200] =	vst v63  }
0xfd: {  	s1 =	simm.s32 @!p0 $0x200;
	s2 =	simm.s32 @!p0 $0x4300;
	s3 =	simm.s32 @!p0 $0x80  }
0xfe: {  	[tilespmem:s2], [sflag:$0x6] =	stream.indirect.gather @!p0 [hbm4b:s8+s3], $0x80, s1, s3, $0xb8;
	[tilespmem:$0x1F200] =	vst v63  }
0xff: {  	v7 =	vld [tilespmem:s16+$0xFFFFFFF0]  }
0x100: {  	v8 =	vld [tilespmem:s16+$0xFFFFFFC0]  }
0x101: {  	s18 =	sshll.u32 s21, $0x8;
	s30 =	simm.s32 $0x8300;
	v6 =	vld.idx.msk [tilespmem:v2+s19+$0x0], $0xffff  }
0x102: {  	s5 =	simm.s32 $0x1;
	s17 =	simm.s32 $0x3C0;
	s20 =	simm.s32 $0x2;
	v12 =	vld [tilespmem:s16+$0xFFFFFFD0]  }
0x103: {  	s4 =	simm.s32 $0x440;
	v5 =	vmov s5;
	s5 =	simm.s32 $0x5;
	v4 =	vmov s20;
	s20 =	simm.s32 $0x8340;
	v11 =	vld [tilespmem:s16+$0x10]  }
0x104: {  	s29 =	simm.s32 $0x4;
	s10 =	simm.s32 $0x540;
	s22 =	simm.s32 $0x3;
	v9 =	vld [tilespmem:s16+$0xFFFFFFE0]  }
0x105: {  	s14 =	simm.s32 $0x8310;
	v3 =	vmov s22;
	s22 =	simm.s32 $0x540;
	s24 =	simm.s32 $0x8340;
	v10 =	vld [tilespmem:s16+$0x30]  }
0x106: {  	s3 =	simm.s32 $0x8320;
	s1 =	simm.s32 $0x8330;
	s2 =	simm.s32 $0x4C0;
	v2 =	vmov s29;
	v13 =	vld [tilespmem:s16+$0x20]  }
.LBB2_5:
0x107: {  	p1 =	sne.s32 s5, $0x7F;
	s24 =	sadd.s32 $0x10, s24;
	s10 =	sadd.s32 $0x80, s10;
	v12 =	vmul.f32 v12, v6;
	v7 =	vmul.f32 v7, v6;
	v14 =	vld [tilespmem:s16+$0x0]  }
0x108: {  	v8 =	vmul.f32 v8, v6;
	s29 =	smov.u32 s5;
	s5 =	sadd.s32 $0x1, s5;
	v11 =	vmul.f32 v11, v6  }
0x109: {  	[tilespmem:s16+$0xFFFFFFD0] =	vst v12  }
0x10a: {  	[tilespmem:s16+$0xFFFFFFC0] =	vst v8  }
0x10b: {  	v10 =	vmul.f32 v10, v6;
	[tilespmem:s16+$0x10] =	vst v11;
	v8 =	vmul.f32 v13, v6  }
0x10c: {  	v9 =	vmul.f32 v9, v6;
	v11 =	vmov s29;
	[tilespmem:s16+$0xFFFFFFF0] =	vst v7;
	v7 =	vmul.f32 v14, v6  }
0x10d: {  	[tilespmem:s16+$0x30] =	vst v10  }
0x10e: {  	[tilespmem:s16+$0x0] =	vst v7  }
0x10f: {  	v6 =	vsel vm0, v6, v1;
	[tilespmem:s16+$0x20] =	vst v8  }
0x110: {  	[tilespmem:s16+$0xFFFFFFE0] =	vst v9;
	s16 =	smov.u32 s17;
	s17 =	smov.u32 s4;
	s4 =	smov.u32 s2  }
0x111: {  	[tilespmem:s30+$0x0] =	vst v6;
	s30 =	smov.u32 s14;
	s14 =	smov.u32 s3;
	s3 =	smov.u32 s1  }
0x112: {  	s2 =	smov.u32 s22;
	s1 =	smov.u32 s20;
	s20 =	smov.u32 s24;
	v7 =	vld [tilespmem:s16+$0xFFFFFFF0]  }
0x113: {  	s22 =	smov.u32 s10;
	v8 =	vld [tilespmem:s16+$0xFFFFFFC0]  }
0x114: {  	v6 =	vld.idx.msk [tilespmem:v5+s19+$0x0], $0xffff;
	v5 =	vmovc v4;
	v4 =	vmov v3;
	v3 =	vmov v2;
	v2 =	vmov v11  }
.Ltmp5:
0x115: {  	v12 =	vld [tilespmem:s16+$0xFFFFFFD0];
	(pc) =	sbr.rel @p1 .LBB2_5-.Ltmp5, $4  }
0x116: {  	v11 =	vld [tilespmem:s16+$0x10]  }
0x117: {  	v9 =	vld [tilespmem:s16+$0xFFFFFFE0]  }
0x118: {  	v10 =	vld [tilespmem:s16+$0x30]  }
0x119: {  	v13 =	vld [tilespmem:s16+$0x20]  }
0x11a: {  	v12 =	vmul.f32 v12, v6  }
0x11b: {  	v14 =	vld [tilespmem:s16+$0x0];
	v8 =	vmul.f32 v8, v6  }
0x11c: {  	v7 =	vmul.f32 v7, v6;
	[tilespmem:s16+$0xFFFFFFD0] =	vst v12  }
0x11d: {  	v11 =	vmul.f32 v11, v6;
	[tilespmem:s16+$0xFFFFFFC0] =	vst v8  }
0x11e: {  	[tilespmem:s16+$0xFFFFFFF0] =	vst v7;
	v8 =	vmul.f32 v10, v6  }
0x11f: {  	[tilespmem:s16+$0x10] =	vst v11;
	v10 =	vmul.f32 v13, v6  }
0x120: {  	v7 =	vmul.f32 v14, v6;
	[tilespmem:s16+$0x30] =	vst v8  }
0x121: {  	v8 =	vmul.f32 v9, v6;
	[tilespmem:s16+$0x20] =	vst v10  }
0x122: {  	[tilespmem:s16+$0x0] =	vst v7  }
0x123: {  	v6 =	vsel vm0, v6, v1;
	[tilespmem:s16+$0xFFFFFFE0] =	vst v8  }
0x124: {  	[tilespmem:s30+$0x0] =	vst v6  }
0x125: {  	v5 =	vld.idx.msk [tilespmem:v5+s19+$0x0], $0xffff  }
0x126: {  	v7 =	vld [tilespmem:s17+$0xFFFFFFD0]  }
0x127: {  	v8 =	vld [tilespmem:s17+$0xFFFFFFC0]  }
0x128: {  	v9 =	vld [tilespmem:s17+$0x10]  }
0x129: {  	v6 =	vld [tilespmem:s17+$0xFFFFFFF0]  }
0x12a: {  	v11 =	vld [tilespmem:s17+$0x30]  }
0x12b: {  	v12 =	vld [tilespmem:s17+$0x0];
	v7 =	vmul.f32 v7, v5  }
0x12c: {  	v13 =	vld [tilespmem:s17+$0x20];
	v8 =	vmul.f32 v8, v5  }
0x12d: {  	v10 =	vld [tilespmem:s17+$0xFFFFFFE0];
	v9 =	vmul.f32 v9, v5;
	[tilespmem:s17+$0xFFFFFFD0] =	vst v7  }
0x12e: {  	v6 =	vmul.f32 v6, v5;
	[tilespmem:s17+$0xFFFFFFC0] =	vst v8  }
0x12f: {  	[tilespmem:s17+$0x10] =	vst v9;
	v7 =	vmul.f32 v11, v5  }
0x130: {  	[tilespmem:s17+$0xFFFFFFF0] =	vst v6;
	v6 =	vmul.f32 v12, v5  }
0x131: {  	v8 =	vmul.f32 v13, v5;
	[tilespmem:s17+$0x30] =	vst v7  }
0x132: {  	v7 =	vmul.f32 v10, v5;
	[tilespmem:s17+$0x0] =	vst v6  }
0x133: {  	[tilespmem:s17+$0x20] =	vst v8  }
0x134: {  	v5 =	vsel vm0, v5, v1;
	[tilespmem:s17+$0xFFFFFFE0] =	vst v7  }
0x135: {  	[tilespmem:s14+$0x0] =	vst v5  }
0x136: {  	v4 =	vld.idx.msk [tilespmem:v4+s19+$0x0], $0xffff  }
0x137: {  	v6 =	vld [tilespmem:s4+$0xFFFFFFD0]  }
0x138: {  	v7 =	vld [tilespmem:s4+$0xFFFFFFC0]  }
0x139: {  	v8 =	vld [tilespmem:s4+$0x10]  }
0x13a: {  	v5 =	vld [tilespmem:s4+$0xFFFFFFF0]  }
0x13b: {  	v10 =	vld [tilespmem:s4+$0x30]  }
0x13c: {  	v11 =	vld [tilespmem:s4+$0x0];
	v6 =	vmul.f32 v6, v4  }
0x13d: {  	v12 =	vld [tilespmem:s4+$0x20];
	v7 =	vmul.f32 v7, v4  }
0x13e: {  	v9 =	vld [tilespmem:s4+$0xFFFFFFE0];
	v8 =	vmul.f32 v8, v4;
	[tilespmem:s4+$0xFFFFFFD0] =	vst v6  }
0x13f: {  	v5 =	vmul.f32 v5, v4;
	[tilespmem:s4+$0xFFFFFFC0] =	vst v7  }
0x140: {  	[tilespmem:s4+$0x10] =	vst v8;
	v6 =	vmul.f32 v10, v4  }
0x141: {  	[tilespmem:s4+$0xFFFFFFF0] =	vst v5;
	v5 =	vmul.f32 v11, v4  }
0x142: {  	v7 =	vmul.f32 v12, v4;
	[tilespmem:s4+$0x30] =	vst v6  }
0x143: {  	v6 =	vmul.f32 v9, v4;
	[tilespmem:s4+$0x0] =	vst v5  }
0x144: {  	[tilespmem:s4+$0x20] =	vst v7  }
0x145: {  	v4 =	vsel vm0, v4, v1;
	[tilespmem:s4+$0xFFFFFFE0] =	vst v6  }
0x146: {  	[tilespmem:s3+$0x0] =	vst v4  }
0x147: {  	v3 =	vld.idx.msk [tilespmem:v3+s19+$0x0], $0xffff  }
0x148: {  	v5 =	vld [tilespmem:s2+$0xFFFFFFD0]  }
0x149: {  	v6 =	vld [tilespmem:s2+$0xFFFFFFC0]  }
0x14a: {  	v7 =	vld [tilespmem:s2+$0x10]  }
0x14b: {  	v4 =	vld [tilespmem:s2+$0xFFFFFFF0]  }
0x14c: {  	v9 =	vld [tilespmem:s2+$0x30]  }
0x14d: {  	v10 =	vld [tilespmem:s2+$0x0];
	v5 =	vmul.f32 v5, v3  }
0x14e: {  	v11 =	vld [tilespmem:s2+$0x20];
	v6 =	vmul.f32 v6, v3  }
0x14f: {  	v8 =	vld [tilespmem:s2+$0xFFFFFFE0];
	v7 =	vmul.f32 v7, v3;
	[tilespmem:s2+$0xFFFFFFD0] =	vst v5  }
0x150: {  	v4 =	vmul.f32 v4, v3;
	[tilespmem:s2+$0xFFFFFFC0] =	vst v6  }
0x151: {  	[tilespmem:s2+$0x10] =	vst v7;
	v5 =	vmul.f32 v9, v3  }
0x152: {  	[tilespmem:s2+$0xFFFFFFF0] =	vst v4;
	v4 =	vmul.f32 v10, v3  }
0x153: {  	v6 =	vmul.f32 v11, v3;
	[tilespmem:s2+$0x30] =	vst v5  }
0x154: {  	v5 =	vmul.f32 v8, v3;
	[tilespmem:s2+$0x0] =	vst v4  }
0x155: {  	[tilespmem:s2+$0x20] =	vst v6  }
0x156: {  	v3 =	vsel vm0, v3, v1;
	[tilespmem:s2+$0xFFFFFFE0] =	vst v5  }
0x157: {  	[tilespmem:s1+$0x0] =	vst v3  }
0x158: {  	v2 =	vld.idx.msk [tilespmem:v2+s19+$0x0], $0xffff  }
0x159: {  	v4 =	vld [tilespmem:s22+$0xFFFFFFD0]  }
0x15a: {  	v5 =	vld [tilespmem:s22+$0xFFFFFFC0]  }
0x15b: {  	v6 =	vld [tilespmem:s22+$0x10]  }
0x15c: {  	v3 =	vld [tilespmem:s22+$0xFFFFFFF0]  }
0x15d: {  	v8 =	vld [tilespmem:s22+$0x30]  }
0x15e: {  	v9 =	vld [tilespmem:s22+$0x0];
	v4 =	vmul.f32 v4, v2  }
0x15f: {  	v10 =	vld [tilespmem:s22+$0x20];
	v5 =	vmul.f32 v5, v2  }
0x160: {  	v7 =	vld [tilespmem:s22+$0xFFFFFFE0];
	v6 =	vmul.f32 v6, v2;
	[tilespmem:s22+$0xFFFFFFD0] =	vst v4  }
0x161: {  	v3 =	vmul.f32 v3, v2;
	[tilespmem:s22+$0xFFFFFFC0] =	vst v5  }
0x162: {  	[tilespmem:s22+$0x10] =	vst v6;
	v4 =	vmul.f32 v8, v2  }
0x163: {  	[tilespmem:s22+$0xFFFFFFF0] =	vst v3;
	v3 =	vmul.f32 v9, v2  }
0x164: {  	v5 =	vmul.f32 v10, v2;
	[tilespmem:s22+$0x30] =	vst v4  }
0x165: {  	v4 =	vmul.f32 v7, v2;
	[tilespmem:s22+$0x0] =	vst v3  }
0x166: {  	[tilespmem:s22+$0x20] =	vst v5  }
0x167: {  	v2 =	vsel vm0, v2, v1;
	[tilespmem:s22+$0xFFFFFFE0] =	vst v4  }
0x168: {  	[tilespmem:s20+$0x0] =	vst v2  }
0x169: {  	_ =	swait.ge [sflag:s28], $0x4000  }
0x16a: {  	s3 =	simm.s32 @p0 $0x4300;
	s2 =	simm.s32 @p0 $0x200;
	[sflag:s28] =	ssyncset.done $0x0  }
0x16b: {  	s1 =	simm.s32 @p0 $0x80;
	s4 =	rddreg [dreg:$0x6];
	[sflag:s28] =	ssyncadd.s32 $0xFFFFC000  }
0x16c: {  	[tilespmem:s3], [sflag:$0x6] =	stream.indirect.gather.add.f32 @p0 [hbm:s8], $0x80, s2, s1, $0xb8;
	[tilespmem:$0x1F200] =	vst v63  }
0x16d: {  	s1 =	simm.s32 @!p0 $0x80;
	s2 =	simm.s32 @!p0 $0x280;
	s3 =	simm.s32 @!p0 $0x4300  }
0x16e: {  	[tilespmem:s3], [sflag:$0x6] =	stream.indirect.gather.add.f32 @!p0 [hbm:s4], $0x80, s2, s1, $0xb8;
	[tilespmem:$0x1F200] =	vst v63  }
0x16f: {  	s1 =	simm.s32 @!p0 $0x0  }
0x170: {  	s20 =	simm.s32 $0x300;
	s17 =	rddreg [dreg:$0x3];
	s1 =	simm.s32 @p0 $0x100  }
0x171: {  	[spmem:s17] =	stream.indirect.scatter.add.f32 [tilespmem:s20], [sflag:$0x7], $0x80, s1, s25, $0xb8;
	[tilespmem:$0x1F200] =	vst v63  }
0x172: {  	_ =	swait.ge [sflag:s23], $0x4000  }
0x173: {  	[sflag:s23] =	ssyncset.done $0x0  }
0x174: {  	[sflag:s23] =	ssyncadd.s32 $0xFFFFC000  }
0x175: {  	s24 =	simm.s32 $0x8300;
	s22 =	rddreg [dreg:$0x4]  }
0x176: {  	[spmem:s22] =	stream.indirect.scatter.add.f32 [tilespmem:s24], [sflag:$0x7], $0x10, s1, s25, $0xb8;
	[tilespmem:$0x1F200] =	vst v63  }
0x177: {  	_ =	swait.ge [sflag:s23], $0x800  }
0x178: {  	p1 =	seq.s32 s21, $0x27;
	s1 =	rddreg [dreg:$0x1a];
	[sflag:s23] =	ssyncset.done $0x0  }
0x179: {  	s1 =	sadd.s32 @!p1 s18, s1;
	[sflag:s23] =	ssyncadd.s32 $0xFFFFF800  }
0x17a: {  	s3 =	sshrl.u32 @!p1 s1, $0x3;
	s1 =	rddreg [dreg:$0x0]  }
0x17b: {  	s2 =	simm.s32 @!p1 $0x0;
	s1 =	sadd.s32 @!p1 s1, s3  }
0x17c: {  	[tilespmem:s2], [sflag:$0x1] =	stream.linear.gather @!p1 [hbm4b:s1+s2], $0x80, $0x38;
	[tilespmem:$0x1F200] =	vst v63  }
0x17d: {  	s1 =	rddreg [dreg:$0x1]  }
0x17e: {  	s4 =	sadd.s32 @!p1 s1, s3;
	s1 =	simm.s32 @!p1 $0x80  }
0x17f: {  	[tilespmem:s1], [sflag:$0x1] =	stream.linear.gather @!p1 [hbm4b:s4+s2], $0x80, $0x38;
	[tilespmem:$0x1F200] =	vst v63  }
0x180: {  	s4 =	sadd.s32 @!p1 s6, s3;
	s3 =	simm.s32 @!p1 $0x100  }
0x181: {  	[tilespmem:s3], [sflag:$0x1] =	stream.linear.gather @!p1 [hbm4b:s4+s2], $0x80, $0x38;
	[tilespmem:$0x1F200] =	vst v63  }
0x182: {  	_ =	swait.ge [sflag:s28], $0x4000  }
0x183: {  	[sflag:s28] =	ssyncset.done $0x0  }
0x184: {  	[sflag:s28] =	ssyncadd.s32 $0xFFFFC000  }
0x185: {  	_ =	swait.ge [sflag:s26], $0x80  }
0x186: {  	[sflag:s26] =	ssyncset.done $0x0  }
0x187: {  	[sflag:s26] =	ssyncadd.s32 $0xFFFFFF80  }
0x188: {  	_ =	swait.ge [sflag:s26], $0x80  }
0x189: {  	[sflag:s26] =	ssyncset.done $0x0  }
0x18a: {  	[sflag:s26] =	ssyncadd.s32 $0xFFFFFF80  }
0x18b: {  	_ =	swait.ge [sflag:s26], $0x80  }
0x18c: {  	[sflag:s26] =	ssyncset.done $0x0  }
0x18d: {  	[sflag:s26] =	ssyncadd.s32 $0xFFFFFF80  }
0x18e: {  	v2 =	vld [tilespmem:$0x8D00]  }
0x18f: {  	v3 =	vld [tilespmem:$0x8D80]  }
0x190: {  	v4 =	vld [tilespmem:$0x8E00]  }
0x191: {  	v5 =	vld [tilespmem:$0x8D10]  }
0x192: {  	v6 =	vld [tilespmem:$0x8D90]  }
0x193: {  	v7 =	vld [tilespmem:$0x8E10]  }
0x194: {  	v8 =	vld [tilespmem:$0x8D20]  }
0x195: {  	v9 =	vld [tilespmem:$0x8DA0]  }
0x196: {  	v10 =	vld [tilespmem:$0x8E20]  }
0x197: {  	v11 =	vld [tilespmem:$0x8D30]  }
0x198: {  	v12 =	vld [tilespmem:$0x8DB0]  }
0x199: {  	v13 =	vld [tilespmem:$0x8E30]  }
0x19a: {  	v14 =	vld [tilespmem:$0x8D40]  }
0x19b: {  	v16 =	vld [tilespmem:$0x8E50];
	v2 =	vadd.f32 v3, v2  }
0x19c: {  	v63 =	vld [tilespmem:$0x8DF0];
	v5 =	vadd.f32 v6, v5  }
0x19d: {  	v3 =	vld [tilespmem:$0x8DC0];
	v2 =	vadd.f32 v4, v2  }
0x19e: {  	v6 =	vld [tilespmem:$0x8E40];
	v5 =	vadd.f32 v7, v5  }
0x19f: {  	v8 =	vadd.f32 v9, v8;
	v9 =	vld [tilespmem:$0x8D60];
	v15 =	vmul.f32 $9.999999770e-03, v2  }
0x1a0: {  	v4 =	vld [tilespmem:$0x8D50];
	v17 =	vmul.f32 $9.999999770e-03, v5  }
0x1a1: {  	v7 =	vld [tilespmem:$0x8DD0];
	v2 =	vmax.f32 v2, v15  }
0x1a2: {  	v8 =	vadd.f32 v10, v8;
	v15 =	vld [tilespmem:$0x8DE0];
	v5 =	vmax.f32 v5, v17;
	v2 =	vmul.f32 $1.442695020e+00, v2  }
0x1a3: {  	v10 =	vld [tilespmem:$0x8D70];
	v5 =	vmul.f32 $1.442695020e+00, v5  }
0x1a4: {  	v11 =	vadd.f32 v12, v11;
	v12 =	vld [tilespmem:$0x8E60];
	(erf) = vpow2.f32 v2;
	v2 =	vmul.f32 $9.999999770e-03, v8  }
0x1a5: {  	v3 =	vadd.f32 v3, v14;
	(erf) = vpow2.f32 v5;
	v5 =	vld [tilespmem:$0x8E70]  }
0x1a6: {  	v4 =	vadd.f32 v7, v4;
	v2 =	vmax.f32 v8, v2;
	v8 =	vadd.f32 v13, v11  }
0x1a7: {  	v3 =	vadd.f32 v6, v3;
	v6 =	vadd.f32 v15, v9;
	v2 =	vmul.f32 $1.442695020e+00, v2  }
0x1a8: {  	v4 =	vadd.f32 v16, v4;
	v9 =	vadd.f32 v63, v10;
	v7 =	vmul.f32 $9.999999770e-03, v8  }
0x1a9: {  	v6 =	vadd.f32 v12, v6;
	(erf) = vpow2.f32 v2;
	v2 =	vmul.f32 $9.999999770e-03, v3  }
0x1aa: {  	v7 =	vmax.f32 v8, v7;
	v8 =	vmul.f32 $9.999999770e-03, v4;
	v5 =	vadd.f32 v5, v9  }
0x1ab: {  	v7 =	vmul.f32 $1.442695020e+00, v7;
	v2 =	vmax.f32 v3, v2;
	v3 =	vmul.f32 $9.999999770e-03, v6  }
0x1ac: {  	v2 =	vmul.f32 $1.442695020e+00, v2;
	v4 =	vmax.f32 v4, v8;
	v8 =	vmul.f32 $9.999999770e-03, v5  }
0x1ad: {  	(erf) = vpow2.f32 v7;
	v4 =	vmul.f32 $1.442695020e+00, v4;
	v3 =	vmax.f32 v6, v3  }
0x1ae: {  	(erf) = vpow2.f32 v2;
	v2 =	vmul.f32 $1.442695020e+00, v3;
	v3 =	vmax.f32 v5, v8  }
0x1af: {  	(erf) = vpow2.f32 v4;
	v3 =	vmul.f32 $1.442695020e+00, v3  }
0x1b0: {  	(erf) = vpow2.f32 v2  }
0x1b1: {  	(erf) = vpow2.f32 v3;
	_ =	sdelay $0x1  }
0x1b2: {  	v2 =	vpop (erf)  }
0x1b3: {  	v3 =	vpop (erf);
	[tilespmem:$0x8B00] =	vst v2  }
0x1b4: {  	v2 =	vpop (erf);
	[tilespmem:$0x8B10] =	vst v3  }
0x1b5: {  	[tilespmem:$0x8B20] =	vst v2;
	v3 =	vpop (erf)  }
0x1b6: {  	v2 =	vpop (erf);
	[tilespmem:$0x8B30] =	vst v3  }
0x1b7: {  	v3 =	vpop (erf);
	[tilespmem:$0x8B40] =	vst v2  }
0x1b8: {  	v2 =	vpop (erf);
	[tilespmem:$0x8B50] =	vst v3  }
0x1b9: {  	[tilespmem:$0x8B60] =	vst v2;
	v2 =	vpop (erf)  }
0x1ba: {  	s4 =	simm.s32 @!p1 $0x1;
	[tilespmem:$0x8B70] =	vst v2  }
0x1bb: {  	_ =	swait.ge @!p1 [sflag:s4], $0x80  }
0x1bc: {  	[sflag:s4] =	ssyncset.done @!p1 $0x0  }
0x1bd: {  	[sflag:s4] =	ssyncadd.s32 @!p1 $0xFFFFFF80  }
0x1be: {  	_ =	swait.ge @!p1 [sflag:s4], $0x80  }
0x1bf: {  	[sflag:s4] =	ssyncset.done @!p1 $0x0  }
0x1c0: {  	[sflag:s4] =	ssyncadd.s32 @!p1 $0xFFFFFF80  }
0x1c1: {  	_ =	swait.ge @!p1 [sflag:s4], $0x80  }
0x1c2: {  	[sflag:s4] =	ssyncset.done @!p1 $0x0  }
0x1c3: {  	[sflag:s4] =	ssyncadd.s32 @!p1 $0xFFFFFF80;
	s4 =	simm.s32 @!p1 $0x8B80  }
0x1c4: {  	[tilespmem:s4], [sflag:$0x3] =	stream.indirect.gather @!p1 [hbm4b:s11+s1], $0x1, s2, s1, $0xb8;
	[tilespmem:$0x1F200] =	vst v63  }
0x1c5: {  	s2 =	simm.s32 @!p1 $0x8C00  }
0x1c6: {  	[tilespmem:s2], [sflag:$0x3] =	stream.indirect.gather @!p1 [hbm4b:s12+s1], $0x1, s1, s1, $0xb8;
	[tilespmem:$0x1F200] =	vst v63  }
0x1c7: {  	s2 =	rddreg [dreg:$0x7]  }
0x1c8: {  	p2 =	sne.s32 @!p1 s2, $0x0;
	s2 =	simm.s32 @!p1 $0x8C80  }
0x1c9: {  	[tilespmem:s2], [sflag:$0x3] =	stream.indirect.gather @!p1 [hbm4b:s13+s1], $0x1, s3, s1, $0xb8;
	[tilespmem:$0x1F200] =	vst v63  }
0x1ca: {  	s29 =	simm.s32 $0x0;
	p3 =	por !p2, p1;
	p2 =	por p2, p1  }
0x1cb: {  	s1 =	simm.s32 @!p3 $0x80;
	s2 =	simm.s32 @!p3 $0x0;
	s3 =	simm.s32 @!p3 $0x300  }
0x1cc: {  	v2 =	vmov s29;
	[tilespmem:s3], [sflag:$0x5] =	stream.indirect.gather @!p3 [hbm4b:s7+s1], $0x80, s2, s1, $0xb8;
	[tilespmem:$0x1F200] =	vst v63  }
0x1cd: {  	s16 =	simm.s32 $0x4340;
	s2 =	simm.s32 @!p2 $0x80;
	s3 =	simm.s32 @!p2 $0x300  }
0x1ce: {  	[tilespmem:s3], [sflag:$0x5] =	stream.indirect.gather @!p2 [hbm4b:s8+s2], $0x80, s2, s2, $0xb8;
	[tilespmem:$0x1F200] =	vst v63  }
0x1cf: {  	v7 =	vld [tilespmem:s16+$0xFFFFFFF0]  }
0x1d0: {  	v8 =	vld [tilespmem:s16+$0xFFFFFFC0]  }
0x1d1: {  	s5 =	simm.s32 $0x1;
	v6 =	vld.idx.msk [tilespmem:v2+s19+$0x0], $0xffff  }
0x1d2: {  	s10 =	simm.s32 $0x4540;
	s30 =	simm.s32 $0x8300;
	s14 =	simm.s32 $0x8310;
	v12 =	vld [tilespmem:s16+$0xFFFFFFD0]  }
0x1d3: {  	s17 =	simm.s32 $0x43C0;
	s20 =	simm.s32 $0x2;
	s22 =	simm.s32 $0x3;
	v11 =	vld [tilespmem:s16+$0x10]  }
0x1d4: {  	s24 =	simm.s32 $0x8340;
	v5 =	vmov s5;
	s5 =	simm.s32 $0x5;
	v4 =	vmov s20;
	s20 =	simm.s32 $0x8340;
	v9 =	vld [tilespmem:s16+$0xFFFFFFE0]  }
0x1d5: {  	v3 =	vmov s22;
	s22 =	simm.s32 $0x4540;
	s29 =	simm.s32 $0x4;
	s4 =	simm.s32 $0x4440;
	v10 =	vld [tilespmem:s16+$0x30]  }
0x1d6: {  	s1 =	simm.s32 $0x8330;
	s3 =	simm.s32 $0x8320;
	s2 =	simm.s32 $0x44C0;
	v2 =	vmov s29;
	v13 =	vld [tilespmem:s16+$0x20]  }
.LBB2_7:
0x1d7: {  	p2 =	sne.s32 s5, $0x7F;
	s24 =	sadd.s32 $0x10, s24;
	s10 =	sadd.s32 $0x80, s10;
	v12 =	vmul.f32 v12, v6;
	v7 =	vmul.f32 v7, v6;
	v14 =	vld [tilespmem:s16+$0x0]  }
0x1d8: {  	v8 =	vmul.f32 v8, v6;
	s29 =	smov.u32 s5;
	s5 =	sadd.s32 $0x1, s5;
	v11 =	vmul.f32 v11, v6  }
0x1d9: {  	[tilespmem:s16+$0xFFFFFFD0] =	vst v12  }
0x1da: {  	[tilespmem:s16+$0xFFFFFFC0] =	vst v8  }
0x1db: {  	v10 =	vmul.f32 v10, v6;
	[tilespmem:s16+$0x10] =	vst v11;
	v8 =	vmul.f32 v13, v6  }
0x1dc: {  	v9 =	vmul.f32 v9, v6;
	v11 =	vmov s29;
	[tilespmem:s16+$0xFFFFFFF0] =	vst v7;
	v7 =	vmul.f32 v14, v6  }
0x1dd: {  	[tilespmem:s16+$0x30] =	vst v10  }
0x1de: {  	[tilespmem:s16+$0x0] =	vst v7  }
0x1df: {  	v6 =	vsel vm0, v6, v1;
	[tilespmem:s16+$0x20] =	vst v8  }
0x1e0: {  	[tilespmem:s16+$0xFFFFFFE0] =	vst v9;
	s16 =	smov.u32 s17;
	s17 =	smov.u32 s4;
	s4 =	smov.u32 s2  }
0x1e1: {  	[tilespmem:s30+$0x0] =	vst v6;
	s30 =	smov.u32 s14;
	s14 =	smov.u32 s3;
	s3 =	smov.u32 s1  }
0x1e2: {  	s2 =	smov.u32 s22;
	s1 =	smov.u32 s20;
	s20 =	smov.u32 s24;
	v7 =	vld [tilespmem:s16+$0xFFFFFFF0]  }
0x1e3: {  	s22 =	smov.u32 s10;
	v8 =	vld [tilespmem:s16+$0xFFFFFFC0]  }
0x1e4: {  	v6 =	vld.idx.msk [tilespmem:v5+s19+$0x0], $0xffff;
	v5 =	vmovc v4;
	v4 =	vmov v3;
	v3 =	vmov v2;
	v2 =	vmov v11  }
.Ltmp6:
0x1e5: {  	v12 =	vld [tilespmem:s16+$0xFFFFFFD0];
	(pc) =	sbr.rel @p2 .LBB2_7-.Ltmp6, $4  }
0x1e6: {  	v11 =	vld [tilespmem:s16+$0x10]  }
0x1e7: {  	v9 =	vld [tilespmem:s16+$0xFFFFFFE0]  }
0x1e8: {  	v10 =	vld [tilespmem:s16+$0x30]  }
0x1e9: {  	v13 =	vld [tilespmem:s16+$0x20]  }
0x1ea: {  	v12 =	vmul.f32 v12, v6  }
0x1eb: {  	v8 =	vmul.f32 v8, v6  }
0x1ec: {  	v14 =	vld [tilespmem:s16+$0x0];
	v7 =	vmul.f32 v7, v6;
	[tilespmem:s16+$0xFFFFFFD0] =	vst v12  }
0x1ed: {  	v11 =	vmul.f32 v11, v6;
	[tilespmem:s16+$0xFFFFFFC0] =	vst v8  }
0x1ee: {  	[tilespmem:s16+$0xFFFFFFF0] =	vst v7;
	v35 =	vmul.f32 v9, v6  }
0x1ef: {  	[tilespmem:s16+$0x10] =	vst v11;
	v32 =	vmul.f32 v10, v6  }
0x1f0: {  	v34 =	vmul.f32 v13, v6;
	[tilespmem:s16+$0xFFFFFFE0] =	vst v35  }
0x1f1: {  	v33 =	vmul.f32 v14, v6;
	[tilespmem:s16+$0x30] =	vst v32  }
0x1f2: {  	[tilespmem:s16+$0x20] =	vst v34  }
0x1f3: {  	v36 =	vsel vm0, v6, v1;
	[tilespmem:s16+$0x0] =	vst v33  }
0x1f4: {  	[tilespmem:s30+$0x0] =	vst v36  }
0x1f5: {  	v5 =	vld.idx.msk [tilespmem:v5+s19+$0x0], $0xffff  }
0x1f6: {  	v7 =	vld [tilespmem:s17+$0xFFFFFFD0]  }
0x1f7: {  	v8 =	vld [tilespmem:s17+$0xFFFFFFC0]  }
0x1f8: {  	v37 =	vld [tilespmem:s17+$0x10]  }
0x1f9: {  	v6 =	vld [tilespmem:s17+$0xFFFFFFF0]  }
0x1fa: {  	v11 =	vld [tilespmem:s17+$0x30]  }
0x1fb: {  	v12 =	vld [tilespmem:s17+$0x0];
	v7 =	vmul.f32 v7, v5  }
0x1fc: {  	v39 =	vld [tilespmem:s17+$0x20];
	v8 =	vmul.f32 v8, v5  }
0x1fd: {  	v38 =	vld [tilespmem:s17+$0xFFFFFFE0];
	v9 =	vmul.f32 v37, v5;
	[tilespmem:s17+$0xFFFFFFD0] =	vst v7  }
0x1fe: {  	v6 =	vmul.f32 v6, v5;
	[tilespmem:s17+$0xFFFFFFC0] =	vst v8  }
0x1ff: {  	v40 =	vmul.f32 v11, v5;
	[tilespmem:s17+$0x10] =	vst v9  }
0x200: {  	v41 =	vmul.f32 v12, v5;
	[tilespmem:s17+$0xFFFFFFF0] =	vst v6  }
0x201: {  	v42 =	vmul.f32 v39, v5;
	[tilespmem:s17+$0x30] =	vst v40  }
0x202: {  	v43 =	vmul.f32 v38, v5;
	[tilespmem:s17+$0x0] =	vst v41  }
0x203: {  	[tilespmem:s17+$0x20] =	vst v42  }
0x204: {  	v5 =	vsel vm0, v5, v1;
	[tilespmem:s17+$0xFFFFFFE0] =	vst v43  }
0x205: {  	[tilespmem:s14+$0x0] =	vst v5  }
0x206: {  	v4 =	vld.idx.msk [tilespmem:v4+s19+$0x0], $0xffff  }
0x207: {  	v6 =	vld [tilespmem:s4+$0xFFFFFFD0]  }
0x208: {  	v7 =	vld [tilespmem:s4+$0xFFFFFFC0]  }
0x209: {  	v8 =	vld [tilespmem:s4+$0x10]  }
0x20a: {  	v5 =	vld [tilespmem:s4+$0xFFFFFFF0]  }
0x20b: {  	v44 =	vld [tilespmem:s4+$0x30]  }
0x20c: {  	v45 =	vld [tilespmem:s4+$0x0];
	v6 =	vmul.f32 v6, v4  }
0x20d: {  	v46 =	vld [tilespmem:s4+$0x20];
	v7 =	vmul.f32 v7, v4  }
0x20e: {  	v9 =	vld [tilespmem:s4+$0xFFFFFFE0];
	v8 =	vmul.f32 v8, v4;
	[tilespmem:s4+$0xFFFFFFD0] =	vst v6  }
0x20f: {  	v5 =	vmul.f32 v5, v4;
	[tilespmem:s4+$0xFFFFFFC0] =	vst v7  }
0x210: {  	v47 =	vmul.f32 v44, v4;
	[tilespmem:s4+$0x10] =	vst v8  }
0x211: {  	v48 =	vmul.f32 v45, v4;
	[tilespmem:s4+$0xFFFFFFF0] =	vst v5  }
0x212: {  	v49 =	vmul.f32 v46, v4;
	[tilespmem:s4+$0x30] =	vst v47  }
0x213: {  	v50 =	vmul.f32 v9, v4;
	[tilespmem:s4+$0x0] =	vst v48  }
0x214: {  	[tilespmem:s4+$0x20] =	vst v49  }
0x215: {  	v4 =	vsel vm0, v4, v1;
	[tilespmem:s4+$0xFFFFFFE0] =	vst v50  }
0x216: {  	[tilespmem:s3+$0x0] =	vst v4  }
0x217: {  	v3 =	vld.idx.msk [tilespmem:v3+s19+$0x0], $0xffff  }
0x218: {  	v5 =	vld [tilespmem:s2+$0xFFFFFFD0]  }
0x219: {  	v6 =	vld [tilespmem:s2+$0xFFFFFFC0]  }
0x21a: {  	v7 =	vld [tilespmem:s2+$0x10]  }
0x21b: {  	v4 =	vld [tilespmem:s2+$0xFFFFFFF0]  }
0x21c: {  	v51 =	vld [tilespmem:s2+$0x30]  }
0x21d: {  	v52 =	vld [tilespmem:s2+$0x0];
	v5 =	vmul.f32 v5, v3  }
0x21e: {  	v53 =	vld [tilespmem:s2+$0x20];
	v6 =	vmul.f32 v6, v3  }
0x21f: {  	v8 =	vld [tilespmem:s2+$0xFFFFFFE0];
	v7 =	vmul.f32 v7, v3;
	[tilespmem:s2+$0xFFFFFFD0] =	vst v5  }
0x220: {  	v4 =	vmul.f32 v4, v3;
	[tilespmem:s2+$0xFFFFFFC0] =	vst v6  }
0x221: {  	v54 =	vmul.f32 v51, v3;
	[tilespmem:s2+$0x10] =	vst v7  }
0x222: {  	v55 =	vmul.f32 v52, v3;
	[tilespmem:s2+$0xFFFFFFF0] =	vst v4  }
0x223: {  	v56 =	vmul.f32 v53, v3;
	[tilespmem:s2+$0x30] =	vst v54  }
0x224: {  	v57 =	vmul.f32 v8, v3;
	[tilespmem:s2+$0x0] =	vst v55  }
0x225: {  	[tilespmem:s2+$0x20] =	vst v56  }
0x226: {  	v3 =	vsel vm0, v3, v1;
	[tilespmem:s2+$0xFFFFFFE0] =	vst v57  }
0x227: {  	[tilespmem:s1+$0x0] =	vst v3  }
0x228: {  	v2 =	vld.idx.msk [tilespmem:v2+s19+$0x0], $0xffff  }
0x229: {  	v4 =	vld [tilespmem:s22+$0xFFFFFFD0]  }
0x22a: {  	v5 =	vld [tilespmem:s22+$0xFFFFFFC0]  }
0x22b: {  	v6 =	vld [tilespmem:s22+$0x10]  }
0x22c: {  	v3 =	vld [tilespmem:s22+$0xFFFFFFF0]  }
0x22d: {  	v58 =	vld [tilespmem:s22+$0x30]  }
0x22e: {  	v60 =	vld [tilespmem:s22+$0x20];
	v4 =	vmul.f32 v4, v2  }
0x22f: {  	v7 =	vld [tilespmem:s22+$0xFFFFFFE0];
	v5 =	vmul.f32 v5, v2  }
0x230: {  	v59 =	vld [tilespmem:s22+$0x0];
	v6 =	vmul.f32 v6, v2;
	[tilespmem:s22+$0xFFFFFFD0] =	vst v4  }
0x231: {  	v3 =	vmul.f32 v3, v2;
	[tilespmem:s22+$0xFFFFFFC0] =	vst v5  }
0x232: {  	v61 =	vmul.f32 v58, v2;
	[tilespmem:s22+$0x10] =	vst v6  }
0x233: {  	v62 =	vmul.f32 v60, v2;
	[tilespmem:s22+$0xFFFFFFF0] =	vst v3  }
.Ltmp7:
0x234: {  	v63 =	vmul.f32 v7, v2;
	[tilespmem:s22+$0x30] =	vst v61;
	(pc) =	sbr.rel @!p1 .LBB2_9-.Ltmp7, $4  }
0x235: {  	v3 =	vmul.f32 v59, v2;
	[tilespmem:s22+$0x20] =	vst v62  }
0x236: {  	[tilespmem:s22+$0xFFFFFFE0] =	vst v63  }
0x237: {  	v2 =	vsel vm0, v2, v1;
	[tilespmem:s22+$0x0] =	vst v3  }
0x238: {  	[tilespmem:s20+$0x0] =	vst v2  }
.Ltmp8:
0x239: {  	(pc) =	sbr.rel @p0 .LBB2_15-.Ltmp8, $4  }
.Ltmp9:
0x23a: {  	(pc) =	sbr.rel @!p0 .LBB2_12-.Ltmp9, $4  }
0x23b: {  	_ = 	snop  }
0x23c: {  	_ = 	snop  }
0x23d: {  	s10 =	simm.s32 $0x180;
	s14 =	simm.s32 $0x200  }
0x23e: {  	_ = 	snop  }
.LBB2_9:
.Ltmp10:
0x23f: {  	(pc) =	sbr.rel @p0 .LBB2_14-.Ltmp10, $4  }
0x240: {  	_ = 	snop  }
0x241: {  	_ =	swait.ge [sflag:s0], $0x4000  }
0x242: {  	[sflag:s0] =	ssyncset.done $0x0  }
0x243: {  	s10 =	simm.s32 $0x180;
	s14 =	simm.s32 $0x200;
	[sflag:s0] =	ssyncadd.s32 $0xFFFFC000  }
0x244: {  	s1 =	rddreg [dreg:$0x6];
	s2 =	simm.s32 $0x300;
	s3 =	simm.s32 $0x100  }
0x245: {  	[tilespmem:s2], [sflag:$0x5] =	stream.indirect.gather.add.f32 [hbm:s1], $0x80, s3, s25, $0xb8;
	[tilespmem:$0x1F200] =	vst v63  }
.LBB2_12:
0x246: {  	s1 =	rddreg [dreg:$0x3];
	s2 =	simm.s32 $0x4300  }
0x247: {  	[spmem:s1] =	stream.indirect.scatter.add.f32 [tilespmem:s2], [sflag:$0x7], $0x80, s10, s25, $0xb8;
	[tilespmem:$0x1F200] =	vst v63  }
0x248: {  	_ =	swait.ge [sflag:s23], $0x4000  }
0x249: {  	[sflag:s23] =	ssyncset.done $0x0  }
0x24a: {  	[sflag:s23] =	ssyncadd.s32 $0xFFFFC000  }
.Ltmp11:
0x24b: {  	s30 =	simm.s32 $0x8300;
	s29 =	rddreg [dreg:$0x4];
	(pc) =	sbr.rel @!p1 .LBB2_19-.Ltmp11, $4  }
0x24c: {  	[spmem:s29] =	stream.indirect.scatter.add.f32 [tilespmem:s30], [sflag:$0x7], $0x10, s10, s25, $0xb8;
	[tilespmem:$0x1F200] =	vst v63  }
0x24d: {  	_ =	swait.ge [sflag:s23], $0x800  }
0x24e: {  	[sflag:s23] =	ssyncset.done $0x0  }
0x24f: {  	[sflag:s23] =	ssyncadd.s32 $0xFFFFF800  }
.Ltmp12:
0x250: {  	(pc) =	sbr.rel .LBB2_17-.Ltmp12, $4  }
0x251: {  	_ = 	snop  }
0x252: {  	s2 =	rddreg [dreg:$0x8]  }
0x253: {  	s1 =	rddreg [dreg:$0x9]  }
0x254: {  	s16 =	sld [smem:$0x7FC]  }
.LBB2_18:
0x255: {  	_ =	sfence.sel $0x180000  }
0x256: {  	[bflag:$0x0] =	sbarrier.arrive $0xFFFF  }
0x257: {  	_ =	strace $0x90000047  }
0x258: {  	s0 =	stileid.u32;
	[bflag:$0x2] =	sbarrier.arrive $0xFFFF  }
0x259: {  	p0 =	sne.s32 s0, $0x0;
	s0 =	rddreg [dreg:$0x5]  }
0x25a: {  	s0 =	sadd.s32 @!p0 $0x100000, s0  }
0x25b: {  	[sflag:s0] =	ssyncadd.tile.s32 @!p0 $0x1;
	_ =	shalt  }
.Lfunc_end2:
_tile_overlayer_lowered:
.L_overlay_start_2:
0x25c: {  	(tag) =	ssettag $0x2  }
0x25d: {  	s0 =	rddreg [dreg:$0x0];
	s2 =	stileid.u32  }
0x25e: {  	s1 =	rddreg [dreg:$0x1];
	p0 =	sne.s32 s2, $0x0  }
0x25f: {  	s3 =	rddreg [dreg:$0x2];
	[bflag:$0x3] =	sbarrier.arrive $0xFFFF;
	s2 =	simm.s32 @!p0 $0x1C07  }
0x260: {  	[timem:s3], [sflag:s2] =	dma.local @!p0 [hbm:s0], s1  }
0x261: {  	s0 =	simm.s32 @!p0 $0x7  }
0x262: {  	_ =	swait.ge @!p0 [sflag:s0], s1  }
0x263: {  	s1 =	ssub.s32 @!p0 $0x0, s1;
	[sflag:s0] =	ssyncset.done @!p0 $0x0  }
0x264: {  	[sflag:s0] =	ssyncadd.s32 @!p0 s1  }
0x265: {  	[bflag:$0x3] =	sbarrier.arrive $0xFFFF  }
0x266: {  	_ =	shalt  }

</sc_bundles>
